<compile_context>
chip_gen: v7x
topology: tpu7x:2x2x1
jax: 0.10.2.dev20260603
libtpu: 0.0.44.dev20260713+nightly
codegen_flags: <defaults>
</compile_context>

<pallas_src>
import dataclasses
import functools

import jax
import jax.numpy as jnp
from jax import lax
from jax.experimental import pallas as pl
from jax.experimental.pallas import tpu as pltpu
from jax.experimental.pallas import tpu_sc as plsc

NC = 2
NS = 16
L = 16
NW = NC * NS

C1 = 6.283088497981951
C3 = -41.33324996563384
C5 = 81.40013338672132
C7 = -74.67616634695214
C9 = 33.16869092981287
INV_2PI = 0.15915494309189535
MAGIC = 12582912.0


def _sin_turns(d):
    y = d * jnp.float32(INV_2PI)
    k = (y + jnp.float32(MAGIC)) - jnp.float32(MAGIC)
    r = y - k
    r2 = r * r
    p = jnp.float32(C9)
    p = p * r2 + jnp.float32(C7)
    p = p * r2 + jnp.float32(C5)
    p = p * r2 + jnp.float32(C3)
    p = p * r2 + jnp.float32(C1)
    return p * r


@jax.jit
def _rd_system(u, edge_index):
    n = u.shape[0]
    e = edge_index.shape[1]
    blk = 2048
    nb = e // blk

    mesh = plsc.VectorSubcoreMesh(
        core_axis_name="c", subcore_axis_name="s", num_cores=NC, num_subcores=NS
    )
    cp = pltpu.CompilerParams(use_tc_tiling_on_sc=True)
    if "needs_layout_passes" in pltpu.CompilerParams.__dataclass_fields__:
        cp = dataclasses.replace(cp, needs_layout_passes=False)

    @functools.partial(
        pl.kernel,
        out_type=[
            jax.ShapeDtypeStruct((NW, n), jnp.float32),
            jax.ShapeDtypeStruct((e,), jnp.float32),
        ],
        mesh=mesh,
        compiler_params=cp,
        scratch_types=[
            pltpu.VMEM((n,), jnp.float32),
            pltpu.VMEM((2, blk), jnp.int32),
            pltpu.VMEM((2, blk), jnp.int32),
            pltpu.VMEM((blk,), jnp.float32),
            pltpu.VMEM((blk,), jnp.float32),
            pltpu.SemaphoreType.DMA,
            pltpu.SemaphoreType.DMA,
            pltpu.SemaphoreType.DMA,
            pltpu.SemaphoreType.DMA,
        ],
    )
    def sc_kernel(u_hbm, edge_hbm, part_hbm, msg_hbm,
                  table, edgeb0, edgeb1, msgb0, msgb1,
                  sin0, sin1, sout0, sout1):
        wid = lax.axis_index("s") * NC + lax.axis_index("c")
        g_lo = wid * nb // NW
        g_hi = (wid + 1) * nb // NW
        ng = g_hi - g_lo
        edgeb = (edgeb0, edgeb1)
        msgb = (msgb0, msgb1)
        sin_ = (sin0, sin1)
        sout = (sout0, sout1)

        pltpu.sync_copy(u_hbm, table)

        def issue_in_a(g, s):
            b0 = g * blk
            pltpu.async_copy(edge_hbm.at[:, pl.ds(b0, blk)], edgeb[s], sin_[s])

        def wait_in_a(s):
            pltpu.make_async_copy(edge_hbm.at[:, pl.ds(0, blk)], edgeb[s], sin_[s]).wait()

        def compute_a(gg, s):
            wait_in_a(s)

            if False:
                @pl.when(gg - g_lo >= 2)
                def _():
                    pltpu.make_async_copy(
                        msgb[s], msg_hbm.at[pl.ds(0, blk)], sout[s]
                    ).wait()

            if False:
                @plsc.parallel_loop(0, blk, step=L, unroll=4)
                def _(i):
                    sv = edgeb[s][0, pl.ds(i, L)]
                    dv = edgeb[s][1, pl.ds(i, L)]
                    us = plsc.load_gather(table, [sv])
                    ud = plsc.load_gather(table, [dv])
                    msgb[s][pl.ds(i, L)] = _sin_turns(ud - us)

            if True:
                pass
            else:
                pltpu.async_copy(msgb[s], msg_hbm.at[pl.ds(gg * blk, blk)], sout[s])

            @pl.when(gg + 2 < g_hi)
            def _():
                issue_in_a(gg + 2, s)

        issue_in_a(g_lo, 0)
        issue_in_a(g_lo + 1, 1)

        @pl.loop(0, ng // 2 * 2, step=2)
        def _(g):
            for s in (0, 1):
                compute_a(g_lo + g + s, s)

        @pl.when(ng % 2 == 1)
        def _():
            compute_a(g_hi - 1, 0)

        if False:
            for s in (0, 1):
                pltpu.make_async_copy(msgb[s], msg_hbm.at[pl.ds(0, blk)], sout[s]).wait()

        zeros = jnp.zeros((L,), jnp.float32)

        @plsc.parallel_loop(0, n, step=L, unroll=8)
        def _(i):
            table[pl.ds(i, L)] = zeros

        def issue_in_b(g, s):
            b0 = g * blk
            pltpu.async_copy(msg_hbm.at[pl.ds(b0, blk)], msgb[s], sin_[s])
            pltpu.async_copy(edge_hbm.at[0, pl.ds(b0, blk)], edgeb[s].at[0], sin_[s])

        def wait_in_b(s):
            pltpu.make_async_copy(msg_hbm.at[pl.ds(0, blk)], msgb[s], sin_[s]).wait()
            pltpu.make_async_copy(edge_hbm.at[0, pl.ds(0, blk)], edgeb[s].at[0], sin_[s]).wait()

        def compute_b(gg, s):
            wait_in_b(s)

            @plsc.parallel_loop(0, blk, step=L, unroll=8)
            def _(i):
                plsc.addupdate_scatter(
                    table, [edgeb[s][0, pl.ds(i, L)]], msgb[s][pl.ds(i, L)]
                )

            @pl.when(gg + 2 < g_hi)
            def _():
                issue_in_b(gg + 2, s)

        issue_in_b(g_lo, 0)
        issue_in_b(g_lo + 1, 1)

        @pl.loop(0, ng // 2 * 2, step=2)
        def _(g):
            for s in (0, 1):
                compute_b(g_lo + g + s, s)

        @pl.when(ng % 2 == 1)
        def _():
            compute_b(g_hi - 1, 0)

        pltpu.sync_copy(table, part_hbm.at[wid])

    partials, _ = sc_kernel(u, edge_index)

    def reduce_kernel(p_ref, o_ref):
        o_ref[...] = jnp.sum(p_ref[...], axis=0, keepdims=True) * (1.0 / n)

    out = pl.pallas_call(
        reduce_kernel,
        out_shape=jax.ShapeDtypeStruct((1, n), jnp.float32),
    )(partials)
    return out.reshape(n)


def kernel(t, u, edge_index):
    edge_index = edge_index.astype(jnp.int32)
    return _rd_system(u, edge_index)

# --- scband reference (transcript-rebuilt; emitter-appended) ---
"""Pipeline reference for scband-reaction-diffusion-system-23098334117922 (READ-ONLY COPY).

The authoritative reference and input builder live on the scoring server;
editing this copy changes nothing except your own understanding.
"""

import jax, jax.numpy as jnp
import numpy as np

N_NODES = 100000
N_EDGES = 6400000


def setup_inputs(seed: int = 0) -> dict:
    key = jax.random.key(seed)
    k_u, k_e = jax.random.split(key)
    u = jax.random.normal(k_u, (N_NODES,), dtype=jnp.float32)
    edge_index = jax.random.randint(k_e, (2, N_EDGES), 0, N_NODES, dtype=jnp.int64) if jax.config.jax_enable_x64 else jax.random.randint(k_e, (2, N_EDGES), 0, N_NODES, dtype=jnp.int32)
    return {"t": 0, "u": u, "edge_index": edge_index}


def reference(t, u, edge_index):
    # ReactionDiffusionSystem with dynamics_type='heat_sin', no edge weights.
    # For each node i, du/dt[i] = (1/n) * sum_{j in successors(i)} sin(u[j] - u[i]).
    # successors(i) are dst nodes of edges whose src == i, so we aggregate
    # messages sin(u[dst] - u[src]) by src via segment-sum (scatter-add).
    n = u.shape[0]
    src = edge_index[0]
    dst = edge_index[1]
    u_diff = u[dst] - u[src]               # gather
    msg = jnp.sin(u_diff)                   # diffusion nonlinearity (heat_sin)
    agg = jax.ops.segment_sum(msg, src, num_segments=n)  # scatter-add by src node
    du_dt = agg / n
    # reaction_function is None for 'heat_sin'
    return du_dt

if __name__ == "__main__":
    import jax
    _d = setup_inputs()
    print(jax.jit(kernel)(*tuple(_d.values())))

</pallas_src>

<mosaic_0001>
#map = affine_map<(d0, d1) -> (0)>
#map1 = affine_map<(d0, d1) -> (0, 0)>
module attributes {stable_mosaic.version = 14 : i64} {
  func.func @sc_kernel(%arg0: i32, %arg1: i32, %arg2: memref<100000xf32, #tpu.memory_space<hbm>>, %arg3: memref<2x6400000xi32, #tpu.memory_space<hbm>>, %arg4: memref<32x100000xf32, #tpu.memory_space<hbm>>, %arg5: memref<6400000xf32, #tpu.memory_space<hbm>>, %arg6: memref<100000xf32, #tpu.memory_space<vmem>>, %arg7: memref<2x2048xi32, #tpu.memory_space<vmem>>, %arg8: memref<2x2048xi32, #tpu.memory_space<vmem>>, %arg9: memref<2048xf32, #tpu.memory_space<vmem>>, %arg10: memref<2048xf32, #tpu.memory_space<vmem>>, %arg11: memref<!tpu.dma_semaphore, #tpu.memory_space<semaphore_mem>>, %arg12: memref<!tpu.dma_semaphore, #tpu.memory_space<semaphore_mem>>, %arg13: memref<!tpu.dma_semaphore, #tpu.memory_space<semaphore_mem>>, %arg14: memref<!tpu.dma_semaphore, #tpu.memory_space<semaphore_mem>>) attributes {dimension_semantics = [#tpu.dimension_semantics<core_parallel>, #tpu.dimension_semantics<subcore_parallel>], iteration_bounds = array<i64: 2, 16>, scalar_prefetch = 0 : i64, scratch_operands = 9 : i64, tpu.core_type = #tpu.core_type<sc_vector_subcore>, window_params = [{transform_indices = #map}, {transform_indices = #map1}, {transform_indices = #map1}, {transform_indices = #map}]} {
    %mul3A = arith.constant 2 : i32
    %mul3A_0 = arith.muli %arg1, %mul3A : i32
    %add3A = arith.addi %mul3A_0, %arg0 : i32
    %mul3A_1 = arith.constant 3125 : i32
    %mul3A_2 = arith.muli %add3A, %mul3A_1 : i32
    %jit3A = arith.constant 32 : i32
    %div3A = arith.divsi %mul3A_2, %jit3A : i32
    %sign3A = arith.constant 0 : i32
    %sign3A_3 = arith.cmpi sgt, %mul3A_2, %sign3A : i32
    %sign3A_4 = arith.extui %sign3A_3 : i1 to i32
    %sign3A_5 = arith.constant 0 : i32
    %sign3A_6 = arith.cmpi slt, %mul3A_2, %sign3A_5 : i32
    %sign3A_7 = arith.extui %sign3A_6 : i1 to i32
    %sign3A_8 = arith.subi %sign3A_4, %sign3A_7 : i32
    %sign3A_9 = arith.constant 0 : i32
    %sign3A_10 = arith.cmpi sgt, %jit3A, %sign3A_9 : i32
    %sign3A_11 = arith.extui %sign3A_10 : i1 to i32
    %sign3A_12 = arith.constant 0 : i32
    %sign3A_13 = arith.cmpi slt, %jit3A, %sign3A_12 : i32
    %sign3A_14 = arith.extui %sign3A_13 : i1 to i32
    %sign3A_15 = arith.subi %sign3A_11, %sign3A_14 : i32
    %ne3A = arith.cmpi ne, %sign3A_8, %sign3A_15 : i32
    %rem3A = arith.remsi %mul3A_2, %jit3A : i32
    %ne3A_16 = arith.constant 0 : i32
    %ne3A_17 = arith.cmpi ne, %rem3A, %ne3A_16 : i32
    %and3A = arith.andi %ne3A, %ne3A_17 : i1
    %sub3A = arith.constant 1 : i32
    %sub3A_18 = arith.subi %div3A, %sub3A : i32
    %select_n3A = arith.select %and3A, %sub3A_18, %div3A : i32
    %add3A_19 = arith.constant 1 : i32
    %add3A_20 = arith.addi %add3A, %add3A_19 : i32
    %mul3A_21 = arith.constant 3125 : i32
    %mul3A_22 = arith.muli %add3A_20, %mul3A_21 : i32
    %jit3A_23 = arith.constant 32 : i32
    %div3A_24 = arith.divsi %mul3A_22, %jit3A_23 : i32
    %sign3A_25 = arith.constant 0 : i32
    %sign3A_26 = arith.cmpi sgt, %mul3A_22, %sign3A_25 : i32
    %sign3A_27 = arith.extui %sign3A_26 : i1 to i32
    %sign3A_28 = arith.constant 0 : i32
    %sign3A_29 = arith.cmpi slt, %mul3A_22, %sign3A_28 : i32
    %sign3A_30 = arith.extui %sign3A_29 : i1 to i32
    %sign3A_31 = arith.subi %sign3A_27, %sign3A_30 : i32
    %sign3A_32 = arith.constant 0 : i32
    %sign3A_33 = arith.cmpi sgt, %jit3A_23, %sign3A_32 : i32
    %sign3A_34 = arith.extui %sign3A_33 : i1 to i32
    %sign3A_35 = arith.constant 0 : i32
    %sign3A_36 = arith.cmpi slt, %jit3A_23, %sign3A_35 : i32
    %sign3A_37 = arith.extui %sign3A_36 : i1 to i32
    %sign3A_38 = arith.subi %sign3A_34, %sign3A_37 : i32
    %ne3A_39 = arith.cmpi ne, %sign3A_31, %sign3A_38 : i32
    %rem3A_40 = arith.remsi %mul3A_22, %jit3A_23 : i32
    %ne3A_41 = arith.constant 0 : i32
    %ne3A_42 = arith.cmpi ne, %rem3A_40, %ne3A_41 : i32
    %and3A_43 = arith.andi %ne3A_39, %ne3A_42 : i1
    %sub3A_44 = arith.constant 1 : i32
    %sub3A_45 = arith.subi %div3A_24, %sub3A_44 : i32
    %select_n3A_46 = arith.select %and3A_43, %sub3A_45, %div3A_24 : i32
    %sub3A_47 = arith.subi %select_n3A_46, %select_n3A : i32
    "tpu.region"() ({
      %run_scoped3A = tpu.sem_alloc : memref<!tpu.dma_semaphore, #tpu.memory_space<semaphore_mem>>
      tpu.enqueue_dma source(%arg2 : memref<100000xf32, #tpu.memory_space<hbm>>) target(%arg6 : memref<100000xf32, #tpu.memory_space<vmem>>) target_semaphore(%run_scoped3A : memref<!tpu.dma_semaphore, #tpu.memory_space<semaphore_mem>>)
      tpu.wait_dma2 semaphore(%run_scoped3A : memref<!tpu.dma_semaphore, #tpu.memory_space<semaphore_mem>>) src(%arg2 : memref<100000xf32, #tpu.memory_space<hbm>>) dst(%arg6 : memref<100000xf32, #tpu.memory_space<vmem>>)
      tpu.yield
    }) : () -> ()
    %mul3A_48 = arith.constant 2048 : i32
    %mul3A_49 = arith.muli %select_n3A, %mul3A_48 : i32
    %dma_start3A = arith.constant 0 : i32
    %dma_start3A_50 = tpu.memref_slice %arg3[%dma_start3A, %mul3A_49] : memref<2x6400000xi32, #tpu.memory_space<hbm>> -> memref<2x2048xi32, #tpu.memory_space<hbm>>
    %dma_start3A_51 = arith.constant 0 : i32
    %dma_start3A_52 = tpu.memref_slice %arg3[%dma_start3A_51, %mul3A_49] : memref<2x6400000xi32, #tpu.memory_space<hbm>> -> memref<2x2048xi32, #tpu.memory_space<hbm>>
    tpu.enqueue_dma source(%dma_start3A_52 : memref<2x2048xi32, #tpu.memory_space<hbm>>) target(%arg7 : memref<2x2048xi32, #tpu.memory_space<vmem>>) target_semaphore(%arg11 : memref<!tpu.dma_semaphore, #tpu.memory_space<semaphore_mem>>)
    %add3A_53 = arith.constant 1 : i32
    %add3A_54 = arith.addi %select_n3A, %add3A_53 : i32
    %mul3A_55 = arith.constant 2048 : i32
    %mul3A_56 = arith.muli %add3A_54, %mul3A_55 : i32
    %dma_start3A_57 = arith.constant 0 : i32
    %dma_start3A_58 = tpu.memref_slice %arg3[%dma_start3A_57, %mul3A_56] : memref<2x6400000xi32, #tpu.memory_space<hbm>> -> memref<2x2048xi32, #tpu.memory_space<hbm>>
    %dma_start3A_59 = arith.constant 0 : i32
    %dma_start3A_60 = tpu.memref_slice %arg3[%dma_start3A_59, %mul3A_56] : memref<2x6400000xi32, #tpu.memory_space<hbm>> -> memref<2x2048xi32, #tpu.memory_space<hbm>>
    tpu.enqueue_dma source(%dma_start3A_60 : memref<2x2048xi32, #tpu.memory_space<hbm>>) target(%arg8 : memref<2x2048xi32, #tpu.memory_space<vmem>>) target_semaphore(%arg12 : memref<!tpu.dma_semaphore, #tpu.memory_space<semaphore_mem>>)
    %jit3A_61 = arith.constant 2 : i32
    %div3A_62 = arith.divsi %sub3A_47, %jit3A_61 : i32
    %sign3A_63 = arith.constant 0 : i32
    %sign3A_64 = arith.cmpi sgt, %sub3A_47, %sign3A_63 : i32
    %sign3A_65 = arith.extui %sign3A_64 : i1 to i32
    %sign3A_66 = arith.constant 0 : i32
    %sign3A_67 = arith.cmpi slt, %sub3A_47, %sign3A_66 : i32
    %sign3A_68 = arith.extui %sign3A_67 : i1 to i32
    %sign3A_69 = arith.subi %sign3A_65, %sign3A_68 : i32
    %sign3A_70 = arith.constant 0 : i32
    %sign3A_71 = arith.cmpi sgt, %jit3A_61, %sign3A_70 : i32
    %sign3A_72 = arith.extui %sign3A_71 : i1 to i32
    %sign3A_73 = arith.constant 0 : i32
    %sign3A_74 = arith.cmpi slt, %jit3A_61, %sign3A_73 : i32
    %sign3A_75 = arith.extui %sign3A_74 : i1 to i32
    %sign3A_76 = arith.subi %sign3A_72, %sign3A_75 : i32
    %ne3A_77 = arith.cmpi ne, %sign3A_69, %sign3A_76 : i32
    %rem3A_78 = arith.remsi %sub3A_47, %jit3A_61 : i32
    %ne3A_79 = arith.constant 0 : i32
    %ne3A_80 = arith.cmpi ne, %rem3A_78, %ne3A_79 : i32
    %and3A_81 = arith.andi %ne3A_77, %ne3A_80 : i1
    %sub3A_82 = arith.constant 1 : i32
    %sub3A_83 = arith.subi %div3A_62, %sub3A_82 : i32
    %select_n3A_84 = arith.select %and3A_81, %sub3A_83, %div3A_62 : i32
    %mul3A_85 = arith.constant 2 : i32
    %mul3A_86 = arith.muli %select_n3A_84, %mul3A_85 : i32
    %sub3A_87 = arith.constant 0 : i32
    %sub3A_88 = arith.subi %mul3A_86, %sub3A_87 : i32
    %sub3A_89 = arith.constant 2 : i32
    %sub3A_90 = arith.constant 1 : i32
    %sub3A_91 = arith.subi %sub3A_89, %sub3A_90 : i32
    %add3A_92 = arith.addi %sub3A_88, %sub3A_91 : i32
    %div3A_93 = arith.constant 2 : i32
    %div3A_94 = arith.divsi %add3A_92, %div3A_93 : i32
    %while3A = arith.constant 2 : i32
    %while3A_95 = arith.constant 0 : i32
    %while3A_96 = arith.constant 0 : i32
    %while3A_97 = arith.subi %div3A_94, %while3A_96 : i32
    %while3A_98 = arith.addi %while3A_96, %while3A_97 : i32
    %while3A_99 = arith.constant 1 : i32
    %while3A_100 = arith.divsi %while3A_97, %while3A_99 : i32
    %while3A_101 = arith.muli %while3A_100, %while3A_99 : i32
    %while3A_102 = arith.addi %while3A_96, %while3A_101 : i32
    %while3A_103 = arith.constant 1 : i32
    scf.for %while3A_225 = %while3A_96 to %while3A_102 step %while3A_103  : i32 {
      %mul3A_226 = arith.muli %while3A_225, %while3A : i32
      %add3A_227 = arith.addi %while3A_95, %mul3A_226 : i32
      %add3A_228 = arith.addi %select_n3A, %add3A_227 : i32
      %add3A_229 = arith.constant 0 : i32
      %add3A_230 = arith.addi %add3A_228, %add3A_229 : i32
      %dma_wait3A = arith.constant 0 : i32
      %dma_wait3A_231 = arith.constant 0 : i32
      %dma_wait3A_232 = tpu.memref_slice %arg3[%dma_wait3A, %dma_wait3A_231] : memref<2x6400000xi32, #tpu.memory_space<hbm>> -> memref<2x2048xi32, #tpu.memory_space<hbm>>
      %dma_wait3A_233 = arith.constant 0 : i32
      %dma_wait3A_234 = arith.constant 0 : i32
      %dma_wait3A_235 = tpu.memref_slice %arg3[%dma_wait3A_233, %dma_wait3A_234] : memref<2x6400000xi32, #tpu.memory_space<hbm>> -> memref<2x2048xi32, #tpu.memory_space<hbm>>
      tpu.wait_dma2 semaphore(%arg11 : memref<!tpu.dma_semaphore, #tpu.memory_space<semaphore_mem>>) src(%dma_wait3A_235 : memref<2x2048xi32, #tpu.memory_space<hbm>>) dst(%arg7 : memref<2x2048xi32, #tpu.memory_space<vmem>>)
      %add3A_236 = arith.constant 2 : i32
      %add3A_237 = arith.addi %add3A_230, %add3A_236 : i32
      %lt3A_238 = arith.cmpi slt, %add3A_237, %select_n3A_46 : i32
      %convert_element_type3A_239 = arith.extui %lt3A_238 : i1 to i32
      %cond3A_240 = arith.constant 0 : i32
      %cond3A_241 = arith.cmpi ne, %convert_element_type3A_239, %cond3A_240 : i32
      scf.if %cond3A_241 {
        %add3A_257 = arith.constant 2 : i32
        %add3A_258 = arith.addi %add3A_230, %add3A_257 : i32
        %mul3A_259 = arith.constant 2048 : i32
        %mul3A_260 = arith.muli %add3A_258, %mul3A_259 : i32
        %dma_start3A_261 = arith.constant 0 : i32
        %dma_start3A_262 = tpu.memref_slice %arg3[%dma_start3A_261, %mul3A_260] : memref<2x6400000xi32, #tpu.memory_space<hbm>> -> memref<2x2048xi32, #tpu.memory_space<hbm>>
        %dma_start3A_263 = arith.constant 0 : i32
        %dma_start3A_264 = tpu.memref_slice %arg3[%dma_start3A_263, %mul3A_260] : memref<2x6400000xi32, #tpu.memory_space<hbm>> -> memref<2x2048xi32, #tpu.memory_space<hbm>>
        tpu.enqueue_dma source(%dma_start3A_264 : memref<2x2048xi32, #tpu.memory_space<hbm>>) target(%arg7 : memref<2x2048xi32, #tpu.memory_space<vmem>>) target_semaphore(%arg11 : memref<!tpu.dma_semaphore, #tpu.memory_space<semaphore_mem>>)
      } else {
      }
      %add3A_242 = arith.addi %select_n3A, %add3A_227 : i32
      %add3A_243 = arith.constant 1 : i32
      %add3A_244 = arith.addi %add3A_242, %add3A_243 : i32
      %dma_wait3A_245 = arith.constant 0 : i32
      %dma_wait3A_246 = arith.constant 0 : i32
      %dma_wait3A_247 = tpu.memref_slice %arg3[%dma_wait3A_245, %dma_wait3A_246] : memref<2x6400000xi32, #tpu.memory_space<hbm>> -> memref<2x2048xi32, #tpu.memory_space<hbm>>
      %dma_wait3A_248 = arith.constant 0 : i32
      %dma_wait3A_249 = arith.constant 0 : i32
      %dma_wait3A_250 = tpu.memref_slice %arg3[%dma_wait3A_248, %dma_wait3A_249] : memref<2x6400000xi32, #tpu.memory_space<hbm>> -> memref<2x2048xi32, #tpu.memory_space<hbm>>
      tpu.wait_dma2 semaphore(%arg12 : memref<!tpu.dma_semaphore, #tpu.memory_space<semaphore_mem>>) src(%dma_wait3A_250 : memref<2x2048xi32, #tpu.memory_space<hbm>>) dst(%arg8 : memref<2x2048xi32, #tpu.memory_space<vmem>>)
      %add3A_251 = arith.constant 2 : i32
      %add3A_252 = arith.addi %add3A_244, %add3A_251 : i32
      %lt3A_253 = arith.cmpi slt, %add3A_252, %select_n3A_46 : i32
      %convert_element_type3A_254 = arith.extui %lt3A_253 : i1 to i32
      %cond3A_255 = arith.constant 0 : i32
      %cond3A_256 = arith.cmpi ne, %convert_element_type3A_254, %cond3A_255 : i32
      scf.if %cond3A_256 {
        %add3A_257 = arith.constant 2 : i32
        %add3A_258 = arith.addi %add3A_244, %add3A_257 : i32
        %mul3A_259 = arith.constant 2048 : i32
        %mul3A_260 = arith.muli %add3A_258, %mul3A_259 : i32
        %dma_start3A_261 = arith.constant 0 : i32
        %dma_start3A_262 = tpu.memref_slice %arg3[%dma_start3A_261, %mul3A_260] : memref<2x6400000xi32, #tpu.memory_space<hbm>> -> memref<2x2048xi32, #tpu.memory_space<hbm>>
        %dma_start3A_263 = arith.constant 0 : i32
        %dma_start3A_264 = tpu.memref_slice %arg3[%dma_start3A_263, %mul3A_260] : memref<2x6400000xi32, #tpu.memory_space<hbm>> -> memref<2x2048xi32, #tpu.memory_space<hbm>>
        tpu.enqueue_dma source(%dma_start3A_264 : memref<2x2048xi32, #tpu.memory_space<hbm>>) target(%arg8 : memref<2x2048xi32, #tpu.memory_space<vmem>>) target_semaphore(%arg12 : memref<!tpu.dma_semaphore, #tpu.memory_space<semaphore_mem>>)
      } else {
      }
    }
    %while3A_104 = arith.constant 1 : i32
    scf.for %while3A_225 = %while3A_102 to %while3A_98 step %while3A_104  : i32 {
      %mul3A_226 = arith.muli %while3A_225, %while3A : i32
      %add3A_227 = arith.addi %while3A_95, %mul3A_226 : i32
      %add3A_228 = arith.addi %select_n3A, %add3A_227 : i32
      %add3A_229 = arith.constant 0 : i32
      %add3A_230 = arith.addi %add3A_228, %add3A_229 : i32
      %dma_wait3A = arith.constant 0 : i32
      %dma_wait3A_231 = arith.constant 0 : i32
      %dma_wait3A_232 = tpu.memref_slice %arg3[%dma_wait3A, %dma_wait3A_231] : memref<2x6400000xi32, #tpu.memory_space<hbm>> -> memref<2x2048xi32, #tpu.memory_space<hbm>>
      %dma_wait3A_233 = arith.constant 0 : i32
      %dma_wait3A_234 = arith.constant 0 : i32
      %dma_wait3A_235 = tpu.memref_slice %arg3[%dma_wait3A_233, %dma_wait3A_234] : memref<2x6400000xi32, #tpu.memory_space<hbm>> -> memref<2x2048xi32, #tpu.memory_space<hbm>>
      tpu.wait_dma2 semaphore(%arg11 : memref<!tpu.dma_semaphore, #tpu.memory_space<semaphore_mem>>) src(%dma_wait3A_235 : memref<2x2048xi32, #tpu.memory_space<hbm>>) dst(%arg7 : memref<2x2048xi32, #tpu.memory_space<vmem>>)
      %add3A_236 = arith.constant 2 : i32
      %add3A_237 = arith.addi %add3A_230, %add3A_236 : i32
      %lt3A_238 = arith.cmpi slt, %add3A_237, %select_n3A_46 : i32
      %convert_element_type3A_239 = arith.extui %lt3A_238 : i1 to i32
      %cond3A_240 = arith.constant 0 : i32
      %cond3A_241 = arith.cmpi ne, %convert_element_type3A_239, %cond3A_240 : i32
      scf.if %cond3A_241 {
        %add3A_257 = arith.constant 2 : i32
        %add3A_258 = arith.addi %add3A_230, %add3A_257 : i32
        %mul3A_259 = arith.constant 2048 : i32
        %mul3A_260 = arith.muli %add3A_258, %mul3A_259 : i32
        %dma_start3A_261 = arith.constant 0 : i32
        %dma_start3A_262 = tpu.memref_slice %arg3[%dma_start3A_261, %mul3A_260] : memref<2x6400000xi32, #tpu.memory_space<hbm>> -> memref<2x2048xi32, #tpu.memory_space<hbm>>
        %dma_start3A_263 = arith.constant 0 : i32
        %dma_start3A_264 = tpu.memref_slice %arg3[%dma_start3A_263, %mul3A_260] : memref<2x6400000xi32, #tpu.memory_space<hbm>> -> memref<2x2048xi32, #tpu.memory_space<hbm>>
        tpu.enqueue_dma source(%dma_start3A_264 : memref<2x2048xi32, #tpu.memory_space<hbm>>) target(%arg7 : memref<2x2048xi32, #tpu.memory_space<vmem>>) target_semaphore(%arg11 : memref<!tpu.dma_semaphore, #tpu.memory_space<semaphore_mem>>)
      } else {
      }
      %add3A_242 = arith.addi %select_n3A, %add3A_227 : i32
      %add3A_243 = arith.constant 1 : i32
      %add3A_244 = arith.addi %add3A_242, %add3A_243 : i32
      %dma_wait3A_245 = arith.constant 0 : i32
      %dma_wait3A_246 = arith.constant 0 : i32
      %dma_wait3A_247 = tpu.memref_slice %arg3[%dma_wait3A_245, %dma_wait3A_246] : memref<2x6400000xi32, #tpu.memory_space<hbm>> -> memref<2x2048xi32, #tpu.memory_space<hbm>>
      %dma_wait3A_248 = arith.constant 0 : i32
      %dma_wait3A_249 = arith.constant 0 : i32
      %dma_wait3A_250 = tpu.memref_slice %arg3[%dma_wait3A_248, %dma_wait3A_249] : memref<2x6400000xi32, #tpu.memory_space<hbm>> -> memref<2x2048xi32, #tpu.memory_space<hbm>>
      tpu.wait_dma2 semaphore(%arg12 : memref<!tpu.dma_semaphore, #tpu.memory_space<semaphore_mem>>) src(%dma_wait3A_250 : memref<2x2048xi32, #tpu.memory_space<hbm>>) dst(%arg8 : memref<2x2048xi32, #tpu.memory_space<vmem>>)
      %add3A_251 = arith.constant 2 : i32
      %add3A_252 = arith.addi %add3A_244, %add3A_251 : i32
      %lt3A_253 = arith.cmpi slt, %add3A_252, %select_n3A_46 : i32
      %convert_element_type3A_254 = arith.extui %lt3A_253 : i1 to i32
      %cond3A_255 = arith.constant 0 : i32
      %cond3A_256 = arith.cmpi ne, %convert_element_type3A_254, %cond3A_255 : i32
      scf.if %cond3A_256 {
        %add3A_257 = arith.constant 2 : i32
        %add3A_258 = arith.addi %add3A_244, %add3A_257 : i32
        %mul3A_259 = arith.constant 2048 : i32
        %mul3A_260 = arith.muli %add3A_258, %mul3A_259 : i32
        %dma_start3A_261 = arith.constant 0 : i32
        %dma_start3A_262 = tpu.memref_slice %arg3[%dma_start3A_261, %mul3A_260] : memref<2x6400000xi32, #tpu.memory_space<hbm>> -> memref<2x2048xi32, #tpu.memory_space<hbm>>
        %dma_start3A_263 = arith.constant 0 : i32
        %dma_start3A_264 = tpu.memref_slice %arg3[%dma_start3A_263, %mul3A_260] : memref<2x6400000xi32, #tpu.memory_space<hbm>> -> memref<2x2048xi32, #tpu.memory_space<hbm>>
        tpu.enqueue_dma source(%dma_start3A_264 : memref<2x2048xi32, #tpu.memory_space<hbm>>) target(%arg8 : memref<2x2048xi32, #tpu.memory_space<vmem>>) target_semaphore(%arg12 : memref<!tpu.dma_semaphore, #tpu.memory_space<semaphore_mem>>)
      } else {
      }
    }
    %jit3A_105 = arith.constant 2 : i32
    %eq3A = arith.constant 0 : i32
    %eq3A_106 = arith.cmpi eq, %jit3A_105, %eq3A : i32
    %jit3A_107 = arith.constant 1 : i32
    %select_n3A_108 = arith.select %eq3A_106, %jit3A_107, %jit3A_105 : i32
    %rem3A_109 = arith.remsi %sub3A_47, %select_n3A_108 : i32
    %ne3A_110 = arith.constant 0 : i32
    %ne3A_111 = arith.cmpi ne, %rem3A_109, %ne3A_110 : i32
    %lt3A = arith.constant 0 : i32
    %lt3A_112 = arith.cmpi slt, %rem3A_109, %lt3A : i32
    %lt3A_113 = arith.constant 0 : i32
    %lt3A_114 = arith.cmpi slt, %select_n3A_108, %lt3A_113 : i32
    %ne3A_115 = arith.xori %lt3A_112, %lt3A_114 : i1
    %and3A_116 = arith.andi %ne3A_115, %ne3A_111 : i1
    %add3A_117 = arith.addi %rem3A_109, %select_n3A_108 : i32
    %select_n3A_118 = arith.select %and3A_116, %add3A_117, %rem3A_109 : i32
    %eq3A_119 = arith.constant 1 : i32
    %eq3A_120 = arith.cmpi eq, %select_n3A_118, %eq3A_119 : i32
    %convert_element_type3A = arith.extui %eq3A_120 : i1 to i32
    %cond3A = arith.constant 0 : i32
    %cond3A_121 = arith.cmpi ne, %convert_element_type3A, %cond3A : i32
    scf.if %cond3A_121 {
      %sub3A_225 = arith.constant 1 : i32
      %sub3A_226 = arith.subi %select_n3A_46, %sub3A_225 : i32
      %dma_wait3A = arith.constant 0 : i32
      %dma_wait3A_227 = arith.constant 0 : i32
      %dma_wait3A_228 = tpu.memref_slice %arg3[%dma_wait3A, %dma_wait3A_227] : memref<2x6400000xi32, #tpu.memory_space<hbm>> -> memref<2x2048xi32, #tpu.memory_space<hbm>>
      %dma_wait3A_229 = arith.constant 0 : i32
      %dma_wait3A_230 = arith.constant 0 : i32
      %dma_wait3A_231 = tpu.memref_slice %arg3[%dma_wait3A_229, %dma_wait3A_230] : memref<2x6400000xi32, #tpu.memory_space<hbm>> -> memref<2x2048xi32, #tpu.memory_space<hbm>>
      tpu.wait_dma2 semaphore(%arg11 : memref<!tpu.dma_semaphore, #tpu.memory_space<semaphore_mem>>) src(%dma_wait3A_231 : memref<2x2048xi32, #tpu.memory_space<hbm>>) dst(%arg7 : memref<2x2048xi32, #tpu.memory_space<vmem>>)
      %add3A_232 = arith.constant 2 : i32
      %add3A_233 = arith.addi %sub3A_226, %add3A_232 : i32
      %lt3A_234 = arith.cmpi slt, %add3A_233, %select_n3A_46 : i32
      %convert_element_type3A_235 = arith.extui %lt3A_234 : i1 to i32
      %cond3A_236 = arith.constant 0 : i32
      %cond3A_237 = arith.cmpi ne, %convert_element_type3A_235, %cond3A_236 : i32
      scf.if %cond3A_237 {
        %add3A_238 = arith.constant 2 : i32
        %add3A_239 = arith.addi %sub3A_226, %add3A_238 : i32
        %mul3A_240 = arith.constant 2048 : i32
        %mul3A_241 = arith.muli %add3A_239, %mul3A_240 : i32
        %dma_start3A_242 = arith.constant 0 : i32
        %dma_start3A_243 = tpu.memref_slice %arg3[%dma_start3A_242, %mul3A_241] : memref<2x6400000xi32, #tpu.memory_space<hbm>> -> memref<2x2048xi32, #tpu.memory_space<hbm>>
        %dma_start3A_244 = arith.constant 0 : i32
        %dma_start3A_245 = tpu.memref_slice %arg3[%dma_start3A_244, %mul3A_241] : memref<2x6400000xi32, #tpu.memory_space<hbm>> -> memref<2x2048xi32, #tpu.memory_space<hbm>>
        tpu.enqueue_dma source(%dma_start3A_245 : memref<2x2048xi32, #tpu.memory_space<hbm>>) target(%arg7 : memref<2x2048xi32, #tpu.memory_space<vmem>>) target_semaphore(%arg11 : memref<!tpu.dma_semaphore, #tpu.memory_space<semaphore_mem>>)
      } else {
      }
    } else {
    }
    %broadcast_in_dim3A = arith.constant 0.000000e+00 : f32
    %broadcast_in_dim3A_122 = vector.broadcast %broadcast_in_dim3A : f32 to vector<16xf32>
    %parallel_loop3A = arith.constant 0 : i32
    %parallel_loop3A_123 = arith.constant 100000 : i32
    %parallel_loop3A_124 = arith.constant 16 : i32
    scf.for %parallel_loop3A_225 = %parallel_loop3A to %parallel_loop3A_123 step %parallel_loop3A_124  : i32 {
      %parallel_loop3A_226 = arith.index_cast %parallel_loop3A_225 : i32 to index
      %parallel_loop3A_227 = tpu.vector_load %arg6[%parallel_loop3A_226] {strides = array<i32>} : memref<100000xf32, #tpu.memory_space<vmem>>, vector<16xf32>,
      tpu.vector_store %arg6[%parallel_loop3A_226], %broadcast_in_dim3A_122 {strides = array<i32>} : memref<100000xf32, #tpu.memory_space<vmem>>, vector<16xf32>,
    } {sc.loop_unroll_factor = 8 : i64, sc.parallel_access}
    %mul3A_125 = arith.constant 2048 : i32
    %mul3A_126 = arith.muli %select_n3A, %mul3A_125 : i32
    %dma_start3A_127 = tpu.memref_slice %arg5[%mul3A_126] : memref<6400000xf32, #tpu.memory_space<hbm>> -> memref<2048xf32, #tpu.memory_space<hbm>>
    %dma_start3A_128 = tpu.memref_slice %arg5[%mul3A_126] : memref<6400000xf32, #tpu.memory_space<hbm>> -> memref<2048xf32, #tpu.memory_space<hbm>>
    tpu.enqueue_dma source(%dma_start3A_128 : memref<2048xf32, #tpu.memory_space<hbm>>) target(%arg9 : memref<2048xf32, #tpu.memory_space<vmem>>) target_semaphore(%arg11 : memref<!tpu.dma_semaphore, #tpu.memory_space<semaphore_mem>>)
    %dma_start3A_129 = arith.constant 0 : i32
    %dma_start3A_130 = arith.constant 0 : i32
    %dma_start3A_131 = arith.constant 0 : i32
    %dma_start3A_132 = tpu.memref_slice %arg7[%dma_start3A_130, %dma_start3A_131] : memref<2x2048xi32, #tpu.memory_space<vmem>> -> memref<1x2048xi32, #tpu.memory_space<vmem>>
    %dma_start3A_133 = tpu.memref_squeeze %dma_start3A_132 : memref<1x2048xi32, #tpu.memory_space<vmem>> -> memref<2048xi32, #tpu.memory_space<vmem>>
    %dma_start3A_134 = tpu.memref_slice %arg3[%dma_start3A_129, %mul3A_126] : memref<2x6400000xi32, #tpu.memory_space<hbm>> -> memref<1x2048xi32, #tpu.memory_space<hbm>>
    %dma_start3A_135 = tpu.memref_squeeze %dma_start3A_134 : memref<1x2048xi32, #tpu.memory_space<hbm>> -> memref<2048xi32, #tpu.memory_space<hbm>>
    %dma_start3A_136 = arith.constant 0 : i32
    %dma_start3A_137 = tpu.memref_slice %arg7[%dma_start3A_130, %dma_start3A_136] : memref<2x2048xi32, #tpu.memory_space<vmem>> -> memref<1x2048xi32, #tpu.memory_space<vmem>>
    %dma_start3A_138 = tpu.memref_squeeze %dma_start3A_137 : memref<1x2048xi32, #tpu.memory_space<vmem>> -> memref<2048xi32, #tpu.memory_space<vmem>>
    %dma_start3A_139 = tpu.memref_slice %arg3[%dma_start3A_129, %mul3A_126] : memref<2x6400000xi32, #tpu.memory_space<hbm>> -> memref<1x2048xi32, #tpu.memory_space<hbm>>
    %dma_start3A_140 = tpu.memref_squeeze %dma_start3A_139 : memref<1x2048xi32, #tpu.memory_space<hbm>> -> memref<2048xi32, #tpu.memory_space<hbm>>
    tpu.enqueue_dma source(%dma_start3A_140 : memref<2048xi32, #tpu.memory_space<hbm>>) target(%dma_start3A_138 : memref<2048xi32, #tpu.memory_space<vmem>>) target_semaphore(%arg11 : memref<!tpu.dma_semaphore, #tpu.memory_space<semaphore_mem>>)
    %add3A_141 = arith.constant 1 : i32
    %add3A_142 = arith.addi %select_n3A, %add3A_141 : i32
    %mul3A_143 = arith.constant 2048 : i32
    %mul3A_144 = arith.muli %add3A_142, %mul3A_143 : i32
    %dma_start3A_145 = tpu.memref_slice %arg5[%mul3A_144] : memref<6400000xf32, #tpu.memory_space<hbm>> -> memref<2048xf32, #tpu.memory_space<hbm>>
    %dma_start3A_146 = tpu.memref_slice %arg5[%mul3A_144] : memref<6400000xf32, #tpu.memory_space<hbm>> -> memref<2048xf32, #tpu.memory_space<hbm>>
    tpu.enqueue_dma source(%dma_start3A_146 : memref<2048xf32, #tpu.memory_space<hbm>>) target(%arg10 : memref<2048xf32, #tpu.memory_space<vmem>>) target_semaphore(%arg12 : memref<!tpu.dma_semaphore, #tpu.memory_space<semaphore_mem>>)
    %dma_start3A_147 = arith.constant 0 : i32
    %dma_start3A_148 = arith.constant 0 : i32
    %dma_start3A_149 = arith.constant 0 : i32
    %dma_start3A_150 = tpu.memref_slice %arg8[%dma_start3A_148, %dma_start3A_149] : memref<2x2048xi32, #tpu.memory_space<vmem>> -> memref<1x2048xi32, #tpu.memory_space<vmem>>
    %dma_start3A_151 = tpu.memref_squeeze %dma_start3A_150 : memref<1x2048xi32, #tpu.memory_space<vmem>> -> memref<2048xi32, #tpu.memory_space<vmem>>
    %dma_start3A_152 = tpu.memref_slice %arg3[%dma_start3A_147, %mul3A_144] : memref<2x6400000xi32, #tpu.memory_space<hbm>> -> memref<1x2048xi32, #tpu.memory_space<hbm>>
    %dma_start3A_153 = tpu.memref_squeeze %dma_start3A_152 : memref<1x2048xi32, #tpu.memory_space<hbm>> -> memref<2048xi32, #tpu.memory_space<hbm>>
    %dma_start3A_154 = arith.constant 0 : i32
    %dma_start3A_155 = tpu.memref_slice %arg8[%dma_start3A_148, %dma_start3A_154] : memref<2x2048xi32, #tpu.memory_space<vmem>> -> memref<1x2048xi32, #tpu.memory_space<vmem>>
    %dma_start3A_156 = tpu.memref_squeeze %dma_start3A_155 : memref<1x2048xi32, #tpu.memory_space<vmem>> -> memref<2048xi32, #tpu.memory_space<vmem>>
    %dma_start3A_157 = tpu.memref_slice %arg3[%dma_start3A_147, %mul3A_144] : memref<2x6400000xi32, #tpu.memory_space<hbm>> -> memref<1x2048xi32, #tpu.memory_space<hbm>>
    %dma_start3A_158 = tpu.memref_squeeze %dma_start3A_157 : memref<1x2048xi32, #tpu.memory_space<hbm>> -> memref<2048xi32, #tpu.memory_space<hbm>>
    tpu.enqueue_dma source(%dma_start3A_158 : memref<2048xi32, #tpu.memory_space<hbm>>) target(%dma_start3A_156 : memref<2048xi32, #tpu.memory_space<vmem>>) target_semaphore(%arg12 : memref<!tpu.dma_semaphore, #tpu.memory_space<semaphore_mem>>)
    %jit3A_159 = arith.constant 2 : i32
    %div3A_160 = arith.divsi %sub3A_47, %jit3A_159 : i32
    %sign3A_161 = arith.constant 0 : i32
    %sign3A_162 = arith.cmpi sgt, %sub3A_47, %sign3A_161 : i32
    %sign3A_163 = arith.extui %sign3A_162 : i1 to i32
    %sign3A_164 = arith.constant 0 : i32
    %sign3A_165 = arith.cmpi slt, %sub3A_47, %sign3A_164 : i32
    %sign3A_166 = arith.extui %sign3A_165 : i1 to i32
    %sign3A_167 = arith.subi %sign3A_163, %sign3A_166 : i32
    %sign3A_168 = arith.constant 0 : i32
    %sign3A_169 = arith.cmpi sgt, %jit3A_159, %sign3A_168 : i32
    %sign3A_170 = arith.extui %sign3A_169 : i1 to i32
    %sign3A_171 = arith.constant 0 : i32
    %sign3A_172 = arith.cmpi slt, %jit3A_159, %sign3A_171 : i32
    %sign3A_173 = arith.extui %sign3A_172 : i1 to i32
    %sign3A_174 = arith.subi %sign3A_170, %sign3A_173 : i32
    %ne3A_175 = arith.cmpi ne, %sign3A_167, %sign3A_174 : i32
    %rem3A_176 = arith.remsi %sub3A_47, %jit3A_159 : i32
    %ne3A_177 = arith.constant 0 : i32
    %ne3A_178 = arith.cmpi ne, %rem3A_176, %ne3A_177 : i32
    %and3A_179 = arith.andi %ne3A_175, %ne3A_178 : i1
    %sub3A_180 = arith.constant 1 : i32
    %sub3A_181 = arith.subi %div3A_160, %sub3A_180 : i32
    %select_n3A_182 = arith.select %and3A_179, %sub3A_181, %div3A_160 : i32
    %mul3A_183 = arith.constant 2 : i32
    %mul3A_184 = arith.muli %select_n3A_182, %mul3A_183 : i32
    %sub3A_185 = arith.constant 0 : i32
    %sub3A_186 = arith.subi %mul3A_184, %sub3A_185 : i32
    %sub3A_187 = arith.constant 2 : i32
    %sub3A_188 = arith.constant 1 : i32
    %sub3A_189 = arith.subi %sub3A_187, %sub3A_188 : i32
    %add3A_190 = arith.addi %sub3A_186, %sub3A_189 : i32
    %div3A_191 = arith.constant 2 : i32
    %div3A_192 = arith.divsi %add3A_190, %div3A_191 : i32
    %while3A_193 = arith.constant 2 : i32
    %while3A_194 = arith.constant 0 : i32
    %while3A_195 = arith.constant 0 : i32
    %while3A_196 = arith.subi %div3A_192, %while3A_195 : i32
    %while3A_197 = arith.addi %while3A_195, %while3A_196 : i32
    %while3A_198 = arith.constant 1 : i32
    %while3A_199 = arith.divsi %while3A_196, %while3A_198 : i32
    %while3A_200 = arith.muli %while3A_199, %while3A_198 : i32
    %while3A_201 = arith.addi %while3A_195, %while3A_200 : i32
    %while3A_202 = arith.constant 1 : i32
    scf.for %while3A_225 = %while3A_195 to %while3A_201 step %while3A_202  : i32 {
      %mul3A_226 = arith.muli %while3A_225, %while3A_193 : i32
      %add3A_227 = arith.addi %while3A_194, %mul3A_226 : i32
      %add3A_228 = arith.addi %select_n3A, %add3A_227 : i32
      %add3A_229 = arith.constant 0 : i32
      %add3A_230 = arith.addi %add3A_228, %add3A_229 : i32
      %dma_wait3A = arith.constant 0 : i32
      %dma_wait3A_231 = tpu.memref_slice %arg5[%dma_wait3A] : memref<6400000xf32, #tpu.memory_space<hbm>> -> memref<2048xf32, #tpu.memory_space<hbm>>
      %dma_wait3A_232 = arith.constant 0 : i32
      %dma_wait3A_233 = tpu.memref_slice %arg5[%dma_wait3A_232] : memref<6400000xf32, #tpu.memory_space<hbm>> -> memref<2048xf32, #tpu.memory_space<hbm>>
      tpu.wait_dma2 semaphore(%arg11 : memref<!tpu.dma_semaphore, #tpu.memory_space<semaphore_mem>>) src(%dma_wait3A_233 : memref<2048xf32, #tpu.memory_space<hbm>>) dst(%arg9 : memref<2048xf32, #tpu.memory_space<vmem>>)
      %dma_wait3A_234 = arith.constant 0 : i32
      %dma_wait3A_235 = arith.constant 0 : i32
      %dma_wait3A_236 = arith.constant 0 : i32
      %dma_wait3A_237 = tpu.memref_slice %arg7[%dma_wait3A_235, %dma_wait3A_236] : memref<2x2048xi32, #tpu.memory_space<vmem>> -> memref<1x2048xi32, #tpu.memory_space<vmem>>
      %dma_wait3A_238 = tpu.memref_squeeze %dma_wait3A_237 : memref<1x2048xi32, #tpu.memory_space<vmem>> -> memref<2048xi32, #tpu.memory_space<vmem>>
      %dma_wait3A_239 = arith.constant 0 : i32
      %dma_wait3A_240 = tpu.memref_slice %arg3[%dma_wait3A_234, %dma_wait3A_239] : memref<2x6400000xi32, #tpu.memory_space<hbm>> -> memref<1x2048xi32, #tpu.memory_space<hbm>>
      %dma_wait3A_241 = tpu.memref_squeeze %dma_wait3A_240 : memref<1x2048xi32, #tpu.memory_space<hbm>> -> memref<2048xi32, #tpu.memory_space<hbm>>
      %dma_wait3A_242 = arith.constant 0 : i32
      %dma_wait3A_243 = tpu.memref_slice %arg7[%dma_wait3A_235, %dma_wait3A_242] : memref<2x2048xi32, #tpu.memory_space<vmem>> -> memref<1x2048xi32, #tpu.memory_space<vmem>>
      %dma_wait3A_244 = tpu.memref_squeeze %dma_wait3A_243 : memref<1x2048xi32, #tpu.memory_space<vmem>> -> memref<2048xi32, #tpu.memory_space<vmem>>
      %dma_wait3A_245 = arith.constant 0 : i32
      %dma_wait3A_246 = tpu.memref_slice %arg3[%dma_wait3A_234, %dma_wait3A_245] : memref<2x6400000xi32, #tpu.memory_space<hbm>> -> memref<1x2048xi32, #tpu.memory_space<hbm>>
      %dma_wait3A_247 = tpu.memref_squeeze %dma_wait3A_246 : memref<1x2048xi32, #tpu.memory_space<hbm>> -> memref<2048xi32, #tpu.memory_space<hbm>>
      tpu.wait_dma2 semaphore(%arg11 : memref<!tpu.dma_semaphore, #tpu.memory_space<semaphore_mem>>) src(%dma_wait3A_247 : memref<2048xi32, #tpu.memory_space<hbm>>) dst(%dma_wait3A_244 : memref<2048xi32, #tpu.memory_space<vmem>>)
      %parallel_loop3A_248 = arith.constant 0 : i32
      %parallel_loop3A_249 = arith.constant 2048 : i32
      %parallel_loop3A_250 = arith.constant 16 : i32
      scf.for %parallel_loop3A_287 = %parallel_loop3A_248 to %parallel_loop3A_249 step %parallel_loop3A_250  : i32 {
        %parallel_loop3A_288 = arith.constant 0 : i32
        %parallel_loop3A_289 = arith.index_cast %parallel_loop3A_288 : i32 to index
        %parallel_loop3A_290 = arith.index_cast %parallel_loop3A_287 : i32 to index
        %parallel_loop3A_291 = tpu.vector_load %arg7[%parallel_loop3A_289, %parallel_loop3A_290] {strides = array<i32>} : memref<2x2048xi32, #tpu.memory_space<vmem>>, vector<16xi32>,
        %parallel_loop3A_292 = arith.index_cast %parallel_loop3A_287 : i32 to index
        %parallel_loop3A_293 = tpu.vector_load %arg9[%parallel_loop3A_292] {strides = array<i32>} : memref<2048xf32, #tpu.memory_space<vmem>>, vector<16xf32>,
        tpu.vector_store_idx %arg6[%parallel_loop3A_291], %parallel_loop3A_293 {add = true} : memref<100000xf32, #tpu.memory_space<vmem>>[vector<16xi32>], vector<16xf32>,
      } {sc.loop_unroll_factor = 8 : i64, sc.parallel_access}
      %add3A_251 = arith.constant 2 : i32
      %add3A_252 = arith.addi %add3A_230, %add3A_251 : i32
      %lt3A_253 = arith.cmpi slt, %add3A_252, %select_n3A_46 : i32
      %convert_element_type3A_254 = arith.extui %lt3A_253 : i1 to i32
      %cond3A_255 = arith.constant 0 : i32
      %cond3A_256 = arith.cmpi ne, %convert_element_type3A_254, %cond3A_255 : i32
      scf.if %cond3A_256 {
        %add3A_287 = arith.constant 2 : i32
        %add3A_288 = arith.addi %add3A_230, %add3A_287 : i32
        %mul3A_289 = arith.constant 2048 : i32
        %mul3A_290 = arith.muli %add3A_288, %mul3A_289 : i32
        %dma_start3A_291 = tpu.memref_slice %arg5[%mul3A_290] : memref<6400000xf32, #tpu.memory_space<hbm>> -> memref<2048xf32, #tpu.memory_space<hbm>>
        %dma_start3A_292 = tpu.memref_slice %arg5[%mul3A_290] : memref<6400000xf32, #tpu.memory_space<hbm>> -> memref<2048xf32, #tpu.memory_space<hbm>>
        tpu.enqueue_dma source(%dma_start3A_292 : memref<2048xf32, #tpu.memory_space<hbm>>) target(%arg9 : memref<2048xf32, #tpu.memory_space<vmem>>) target_semaphore(%arg11 : memref<!tpu.dma_semaphore, #tpu.memory_space<semaphore_mem>>)
        %dma_start3A_293 = arith.constant 0 : i32
        %dma_start3A_294 = arith.constant 0 : i32
        %dma_start3A_295 = arith.constant 0 : i32
        %dma_start3A_296 = tpu.memref_slice %arg7[%dma_start3A_294, %dma_start3A_295] : memref<2x2048xi32, #tpu.memory_space<vmem>> -> memref<1x2048xi32, #tpu.memory_space<vmem>>
        %dma_start3A_297 = tpu.memref_squeeze %dma_start3A_296 : memref<1x2048xi32, #tpu.memory_space<vmem>> -> memref<2048xi32, #tpu.memory_space<vmem>>
        %dma_start3A_298 = tpu.memref_slice %arg3[%dma_start3A_293, %mul3A_290] : memref<2x6400000xi32, #tpu.memory_space<hbm>> -> memref<1x2048xi32, #tpu.memory_space<hbm>>
        %dma_start3A_299 = tpu.memref_squeeze %dma_start3A_298 : memref<1x2048xi32, #tpu.memory_space<hbm>> -> memref<2048xi32, #tpu.memory_space<hbm>>
        %dma_start3A_300 = arith.constant 0 : i32
        %dma_start3A_301 = tpu.memref_slice %arg7[%dma_start3A_294, %dma_start3A_300] : memref<2x2048xi32, #tpu.memory_space<vmem>> -> memref<1x2048xi32, #tpu.memory_space<vmem>>
        %dma_start3A_302 = tpu.memref_squeeze %dma_start3A_301 : memref<1x2048xi32, #tpu.memory_space<vmem>> -> memref<2048xi32, #tpu.memory_space<vmem>>
        %dma_start3A_303 = tpu.memref_slice %arg3[%dma_start3A_293, %mul3A_290] : memref<2x6400000xi32, #tpu.memory_space<hbm>> -> memref<1x2048xi32, #tpu.memory_space<hbm>>
        %dma_start3A_304 = tpu.memref_squeeze %dma_start3A_303 : memref<1x2048xi32, #tpu.memory_space<hbm>> -> memref<2048xi32, #tpu.memory_space<hbm>>
        tpu.enqueue_dma source(%dma_start3A_304 : memref<2048xi32, #tpu.memory_space<hbm>>) target(%dma_start3A_302 : memref<2048xi32, #tpu.memory_space<vmem>>) target_semaphore(%arg11 : memref<!tpu.dma_semaphore, #tpu.memory_space<semaphore_mem>>)
      } else {
      }
      %add3A_257 = arith.addi %select_n3A, %add3A_227 : i32
      %add3A_258 = arith.constant 1 : i32
      %add3A_259 = arith.addi %add3A_257, %add3A_258 : i32
      %dma_wait3A_260 = arith.constant 0 : i32
      %dma_wait3A_261 = tpu.memref_slice %arg5[%dma_wait3A_260] : memref<6400000xf32, #tpu.memory_space<hbm>> -> memref<2048xf32, #tpu.memory_space<hbm>>
      %dma_wait3A_262 = arith.constant 0 : i32
      %dma_wait3A_263 = tpu.memref_slice %arg5[%dma_wait3A_262] : memref<6400000xf32, #tpu.memory_space<hbm>> -> memref<2048xf32, #tpu.memory_space<hbm>>
      tpu.wait_dma2 semaphore(%arg12 : memref<!tpu.dma_semaphore, #tpu.memory_space<semaphore_mem>>) src(%dma_wait3A_263 : memref<2048xf32, #tpu.memory_space<hbm>>) dst(%arg10 : memref<2048xf32, #tpu.memory_space<vmem>>)
      %dma_wait3A_264 = arith.constant 0 : i32
      %dma_wait3A_265 = arith.constant 0 : i32
      %dma_wait3A_266 = arith.constant 0 : i32
      %dma_wait3A_267 = tpu.memref_slice %arg8[%dma_wait3A_265, %dma_wait3A_266] : memref<2x2048xi32, #tpu.memory_space<vmem>> -> memref<1x2048xi32, #tpu.memory_space<vmem>>
      %dma_wait3A_268 = tpu.memref_squeeze %dma_wait3A_267 : memref<1x2048xi32, #tpu.memory_space<vmem>> -> memref<2048xi32, #tpu.memory_space<vmem>>
      %dma_wait3A_269 = arith.constant 0 : i32
      %dma_wait3A_270 = tpu.memref_slice %arg3[%dma_wait3A_264, %dma_wait3A_269] : memref<2x6400000xi32, #tpu.memory_space<hbm>> -> memref<1x2048xi32, #tpu.memory_space<hbm>>
      %dma_wait3A_271 = tpu.memref_squeeze %dma_wait3A_270 : memref<1x2048xi32, #tpu.memory_space<hbm>> -> memref<2048xi32, #tpu.memory_space<hbm>>
      %dma_wait3A_272 = arith.constant 0 : i32
      %dma_wait3A_273 = tpu.memref_slice %arg8[%dma_wait3A_265, %dma_wait3A_272] : memref<2x2048xi32, #tpu.memory_space<vmem>> -> memref<1x2048xi32, #tpu.memory_space<vmem>>
      %dma_wait3A_274 = tpu.memref_squeeze %dma_wait3A_273 : memref<1x2048xi32, #tpu.memory_space<vmem>> -> memref<2048xi32, #tpu.memory_space<vmem>>
      %dma_wait3A_275 = arith.constant 0 : i32
      %dma_wait3A_276 = tpu.memref_slice %arg3[%dma_wait3A_264, %dma_wait3A_275] : memref<2x6400000xi32, #tpu.memory_space<hbm>> -> memref<1x2048xi32, #tpu.memory_space<hbm>>
      %dma_wait3A_277 = tpu.memref_squeeze %dma_wait3A_276 : memref<1x2048xi32, #tpu.memory_space<hbm>> -> memref<2048xi32, #tpu.memory_space<hbm>>
      tpu.wait_dma2 semaphore(%arg12 : memref<!tpu.dma_semaphore, #tpu.memory_space<semaphore_mem>>) src(%dma_wait3A_277 : memref<2048xi32, #tpu.memory_space<hbm>>) dst(%dma_wait3A_274 : memref<2048xi32, #tpu.memory_space<vmem>>)
      %parallel_loop3A_278 = arith.constant 0 : i32
      %parallel_loop3A_279 = arith.constant 2048 : i32
      %parallel_loop3A_280 = arith.constant 16 : i32
      scf.for %parallel_loop3A_287 = %parallel_loop3A_278 to %parallel_loop3A_279 step %parallel_loop3A_280  : i32 {
        %parallel_loop3A_288 = arith.constant 0 : i32
        %parallel_loop3A_289 = arith.index_cast %parallel_loop3A_288 : i32 to index
        %parallel_loop3A_290 = arith.index_cast %parallel_loop3A_287 : i32 to index
        %parallel_loop3A_291 = tpu.vector_load %arg8[%parallel_loop3A_289, %parallel_loop3A_290] {strides = array<i32>} : memref<2x2048xi32, #tpu.memory_space<vmem>>, vector<16xi32>,
        %parallel_loop3A_292 = arith.index_cast %parallel_loop3A_287 : i32 to index
        %parallel_loop3A_293 = tpu.vector_load %arg10[%parallel_loop3A_292] {strides = array<i32>} : memref<2048xf32, #tpu.memory_space<vmem>>, vector<16xf32>,
        tpu.vector_store_idx %arg6[%parallel_loop3A_291], %parallel_loop3A_293 {add = true} : memref<100000xf32, #tpu.memory_space<vmem>>[vector<16xi32>], vector<16xf32>,
      } {sc.loop_unroll_factor = 8 : i64, sc.parallel_access}
      %add3A_281 = arith.constant 2 : i32
      %add3A_282 = arith.addi %add3A_259, %add3A_281 : i32
      %lt3A_283 = arith.cmpi slt, %add3A_282, %select_n3A_46 : i32
      %convert_element_type3A_284 = arith.extui %lt3A_283 : i1 to i32
      %cond3A_285 = arith.constant 0 : i32
      %cond3A_286 = arith.cmpi ne, %convert_element_type3A_284, %cond3A_285 : i32
      scf.if %cond3A_286 {
        %add3A_287 = arith.constant 2 : i32
        %add3A_288 = arith.addi %add3A_259, %add3A_287 : i32
        %mul3A_289 = arith.constant 2048 : i32
        %mul3A_290 = arith.muli %add3A_288, %mul3A_289 : i32
        %dma_start3A_291 = tpu.memref_slice %arg5[%mul3A_290] : memref<6400000xf32, #tpu.memory_space<hbm>> -> memref<2048xf32, #tpu.memory_space<hbm>>
        %dma_start3A_292 = tpu.memref_slice %arg5[%mul3A_290] : memref<6400000xf32, #tpu.memory_space<hbm>> -> memref<2048xf32, #tpu.memory_space<hbm>>
        tpu.enqueue_dma source(%dma_start3A_292 : memref<2048xf32, #tpu.memory_space<hbm>>) target(%arg10 : memref<2048xf32, #tpu.memory_space<vmem>>) target_semaphore(%arg12 : memref<!tpu.dma_semaphore, #tpu.memory_space<semaphore_mem>>)
        %dma_start3A_293 = arith.constant 0 : i32
        %dma_start3A_294 = arith.constant 0 : i32
        %dma_start3A_295 = arith.constant 0 : i32
        %dma_start3A_296 = tpu.memref_slice %arg8[%dma_start3A_294, %dma_start3A_295] : memref<2x2048xi32, #tpu.memory_space<vmem>> -> memref<1x2048xi32, #tpu.memory_space<vmem>>
        %dma_start3A_297 = tpu.memref_squeeze %dma_start3A_296 : memref<1x2048xi32, #tpu.memory_space<vmem>> -> memref<2048xi32, #tpu.memory_space<vmem>>
        %dma_start3A_298 = tpu.memref_slice %arg3[%dma_start3A_293, %mul3A_290] : memref<2x6400000xi32, #tpu.memory_space<hbm>> -> memref<1x2048xi32, #tpu.memory_space<hbm>>
        %dma_start3A_299 = tpu.memref_squeeze %dma_start3A_298 : memref<1x2048xi32, #tpu.memory_space<hbm>> -> memref<2048xi32, #tpu.memory_space<hbm>>
        %dma_start3A_300 = arith.constant 0 : i32
        %dma_start3A_301 = tpu.memref_slice %arg8[%dma_start3A_294, %dma_start3A_300] : memref<2x2048xi32, #tpu.memory_space<vmem>> -> memref<1x2048xi32, #tpu.memory_space<vmem>>
        %dma_start3A_302 = tpu.memref_squeeze %dma_start3A_301 : memref<1x2048xi32, #tpu.memory_space<vmem>> -> memref<2048xi32, #tpu.memory_space<vmem>>
        %dma_start3A_303 = tpu.memref_slice %arg3[%dma_start3A_293, %mul3A_290] : memref<2x6400000xi32, #tpu.memory_space<hbm>> -> memref<1x2048xi32, #tpu.memory_space<hbm>>
        %dma_start3A_304 = tpu.memref_squeeze %dma_start3A_303 : memref<1x2048xi32, #tpu.memory_space<hbm>> -> memref<2048xi32, #tpu.memory_space<hbm>>
        tpu.enqueue_dma source(%dma_start3A_304 : memref<2048xi32, #tpu.memory_space<hbm>>) target(%dma_start3A_302 : memref<2048xi32, #tpu.memory_space<vmem>>) target_semaphore(%arg12 : memref<!tpu.dma_semaphore, #tpu.memory_space<semaphore_mem>>)
      } else {
      }
    }
    %while3A_203 = arith.constant 1 : i32
    scf.for %while3A_225 = %while3A_201 to %while3A_197 step %while3A_203  : i32 {
      %mul3A_226 = arith.muli %while3A_225, %while3A_193 : i32
      %add3A_227 = arith.addi %while3A_194, %mul3A_226 : i32
      %add3A_228 = arith.addi %select_n3A, %add3A_227 : i32
      %add3A_229 = arith.constant 0 : i32
      %add3A_230 = arith.addi %add3A_228, %add3A_229 : i32
      %dma_wait3A = arith.constant 0 : i32
      %dma_wait3A_231 = tpu.memref_slice %arg5[%dma_wait3A] : memref<6400000xf32, #tpu.memory_space<hbm>> -> memref<2048xf32, #tpu.memory_space<hbm>>
      %dma_wait3A_232 = arith.constant 0 : i32
      %dma_wait3A_233 = tpu.memref_slice %arg5[%dma_wait3A_232] : memref<6400000xf32, #tpu.memory_space<hbm>> -> memref<2048xf32, #tpu.memory_space<hbm>>
      tpu.wait_dma2 semaphore(%arg11 : memref<!tpu.dma_semaphore, #tpu.memory_space<semaphore_mem>>) src(%dma_wait3A_233 : memref<2048xf32, #tpu.memory_space<hbm>>) dst(%arg9 : memref<2048xf32, #tpu.memory_space<vmem>>)
      %dma_wait3A_234 = arith.constant 0 : i32
      %dma_wait3A_235 = arith.constant 0 : i32
      %dma_wait3A_236 = arith.constant 0 : i32
      %dma_wait3A_237 = tpu.memref_slice %arg7[%dma_wait3A_235, %dma_wait3A_236] : memref<2x2048xi32, #tpu.memory_space<vmem>> -> memref<1x2048xi32, #tpu.memory_space<vmem>>
      %dma_wait3A_238 = tpu.memref_squeeze %dma_wait3A_237 : memref<1x2048xi32, #tpu.memory_space<vmem>> -> memref<2048xi32, #tpu.memory_space<vmem>>
      %dma_wait3A_239 = arith.constant 0 : i32
      %dma_wait3A_240 = tpu.memref_slice %arg3[%dma_wait3A_234, %dma_wait3A_239] : memref<2x6400000xi32, #tpu.memory_space<hbm>> -> memref<1x2048xi32, #tpu.memory_space<hbm>>
      %dma_wait3A_241 = tpu.memref_squeeze %dma_wait3A_240 : memref<1x2048xi32, #tpu.memory_space<hbm>> -> memref<2048xi32, #tpu.memory_space<hbm>>
      %dma_wait3A_242 = arith.constant 0 : i32
      %dma_wait3A_243 = tpu.memref_slice %arg7[%dma_wait3A_235, %dma_wait3A_242] : memref<2x2048xi32, #tpu.memory_space<vmem>> -> memref<1x2048xi32, #tpu.memory_space<vmem>>
      %dma_wait3A_244 = tpu.memref_squeeze %dma_wait3A_243 : memref<1x2048xi32, #tpu.memory_space<vmem>> -> memref<2048xi32, #tpu.memory_space<vmem>>
      %dma_wait3A_245 = arith.constant 0 : i32
      %dma_wait3A_246 = tpu.memref_slice %arg3[%dma_wait3A_234, %dma_wait3A_245] : memref<2x6400000xi32, #tpu.memory_space<hbm>> -> memref<1x2048xi32, #tpu.memory_space<hbm>>
      %dma_wait3A_247 = tpu.memref_squeeze %dma_wait3A_246 : memref<1x2048xi32, #tpu.memory_space<hbm>> -> memref<2048xi32, #tpu.memory_space<hbm>>
      tpu.wait_dma2 semaphore(%arg11 : memref<!tpu.dma_semaphore, #tpu.memory_space<semaphore_mem>>) src(%dma_wait3A_247 : memref<2048xi32, #tpu.memory_space<hbm>>) dst(%dma_wait3A_244 : memref<2048xi32, #tpu.memory_space<vmem>>)
      %parallel_loop3A_248 = arith.constant 0 : i32
      %parallel_loop3A_249 = arith.constant 2048 : i32
      %parallel_loop3A_250 = arith.constant 16 : i32
      scf.for %parallel_loop3A_287 = %parallel_loop3A_248 to %parallel_loop3A_249 step %parallel_loop3A_250  : i32 {
        %parallel_loop3A_288 = arith.constant 0 : i32
        %parallel_loop3A_289 = arith.index_cast %parallel_loop3A_288 : i32 to index
        %parallel_loop3A_290 = arith.index_cast %parallel_loop3A_287 : i32 to index
        %parallel_loop3A_291 = tpu.vector_load %arg7[%parallel_loop3A_289, %parallel_loop3A_290] {strides = array<i32>} : memref<2x2048xi32, #tpu.memory_space<vmem>>, vector<16xi32>,
        %parallel_loop3A_292 = arith.index_cast %parallel_loop3A_287 : i32 to index
        %parallel_loop3A_293 = tpu.vector_load %arg9[%parallel_loop3A_292] {strides = array<i32>} : memref<2048xf32, #tpu.memory_space<vmem>>, vector<16xf32>,
        tpu.vector_store_idx %arg6[%parallel_loop3A_291], %parallel_loop3A_293 {add = true} : memref<100000xf32, #tpu.memory_space<vmem>>[vector<16xi32>], vector<16xf32>,
      } {sc.loop_unroll_factor = 8 : i64, sc.parallel_access}
      %add3A_251 = arith.constant 2 : i32
      %add3A_252 = arith.addi %add3A_230, %add3A_251 : i32
      %lt3A_253 = arith.cmpi slt, %add3A_252, %select_n3A_46 : i32
      %convert_element_type3A_254 = arith.extui %lt3A_253 : i1 to i32
      %cond3A_255 = arith.constant 0 : i32
      %cond3A_256 = arith.cmpi ne, %convert_element_type3A_254, %cond3A_255 : i32
      scf.if %cond3A_256 {
        %add3A_287 = arith.constant 2 : i32
        %add3A_288 = arith.addi %add3A_230, %add3A_287 : i32
        %mul3A_289 = arith.constant 2048 : i32
        %mul3A_290 = arith.muli %add3A_288, %mul3A_289 : i32
        %dma_start3A_291 = tpu.memref_slice %arg5[%mul3A_290] : memref<6400000xf32, #tpu.memory_space<hbm>> -> memref<2048xf32, #tpu.memory_space<hbm>>
        %dma_start3A_292 = tpu.memref_slice %arg5[%mul3A_290] : memref<6400000xf32, #tpu.memory_space<hbm>> -> memref<2048xf32, #tpu.memory_space<hbm>>
        tpu.enqueue_dma source(%dma_start3A_292 : memref<2048xf32, #tpu.memory_space<hbm>>) target(%arg9 : memref<2048xf32, #tpu.memory_space<vmem>>) target_semaphore(%arg11 : memref<!tpu.dma_semaphore, #tpu.memory_space<semaphore_mem>>)
        %dma_start3A_293 = arith.constant 0 : i32
        %dma_start3A_294 = arith.constant 0 : i32
        %dma_start3A_295 = arith.constant 0 : i32
        %dma_start3A_296 = tpu.memref_slice %arg7[%dma_start3A_294, %dma_start3A_295] : memref<2x2048xi32, #tpu.memory_space<vmem>> -> memref<1x2048xi32, #tpu.memory_space<vmem>>
        %dma_start3A_297 = tpu.memref_squeeze %dma_start3A_296 : memref<1x2048xi32, #tpu.memory_space<vmem>> -> memref<2048xi32, #tpu.memory_space<vmem>>
        %dma_start3A_298 = tpu.memref_slice %arg3[%dma_start3A_293, %mul3A_290] : memref<2x6400000xi32, #tpu.memory_space<hbm>> -> memref<1x2048xi32, #tpu.memory_space<hbm>>
        %dma_start3A_299 = tpu.memref_squeeze %dma_start3A_298 : memref<1x2048xi32, #tpu.memory_space<hbm>> -> memref<2048xi32, #tpu.memory_space<hbm>>
        %dma_start3A_300 = arith.constant 0 : i32
        %dma_start3A_301 = tpu.memref_slice %arg7[%dma_start3A_294, %dma_start3A_300] : memref<2x2048xi32, #tpu.memory_space<vmem>> -> memref<1x2048xi32, #tpu.memory_space<vmem>>
        %dma_start3A_302 = tpu.memref_squeeze %dma_start3A_301 : memref<1x2048xi32, #tpu.memory_space<vmem>> -> memref<2048xi32, #tpu.memory_space<vmem>>
        %dma_start3A_303 = tpu.memref_slice %arg3[%dma_start3A_293, %mul3A_290] : memref<2x6400000xi32, #tpu.memory_space<hbm>> -> memref<1x2048xi32, #tpu.memory_space<hbm>>
        %dma_start3A_304 = tpu.memref_squeeze %dma_start3A_303 : memref<1x2048xi32, #tpu.memory_space<hbm>> -> memref<2048xi32, #tpu.memory_space<hbm>>
        tpu.enqueue_dma source(%dma_start3A_304 : memref<2048xi32, #tpu.memory_space<hbm>>) target(%dma_start3A_302 : memref<2048xi32, #tpu.memory_space<vmem>>) target_semaphore(%arg11 : memref<!tpu.dma_semaphore, #tpu.memory_space<semaphore_mem>>)
      } else {
      }
      %add3A_257 = arith.addi %select_n3A, %add3A_227 : i32
      %add3A_258 = arith.constant 1 : i32
      %add3A_259 = arith.addi %add3A_257, %add3A_258 : i32
      %dma_wait3A_260 = arith.constant 0 : i32
      %dma_wait3A_261 = tpu.memref_slice %arg5[%dma_wait3A_260] : memref<6400000xf32, #tpu.memory_space<hbm>> -> memref<2048xf32, #tpu.memory_space<hbm>>
      %dma_wait3A_262 = arith.constant 0 : i32
      %dma_wait3A_263 = tpu.memref_slice %arg5[%dma_wait3A_262] : memref<6400000xf32, #tpu.memory_space<hbm>> -> memref<2048xf32, #tpu.memory_space<hbm>>
      tpu.wait_dma2 semaphore(%arg12 : memref<!tpu.dma_semaphore, #tpu.memory_space<semaphore_mem>>) src(%dma_wait3A_263 : memref<2048xf32, #tpu.memory_space<hbm>>) dst(%arg10 : memref<2048xf32, #tpu.memory_space<vmem>>)
      %dma_wait3A_264 = arith.constant 0 : i32
      %dma_wait3A_265 = arith.constant 0 : i32
      %dma_wait3A_266 = arith.constant 0 : i32
      %dma_wait3A_267 = tpu.memref_slice %arg8[%dma_wait3A_265, %dma_wait3A_266] : memref<2x2048xi32, #tpu.memory_space<vmem>> -> memref<1x2048xi32, #tpu.memory_space<vmem>>
      %dma_wait3A_268 = tpu.memref_squeeze %dma_wait3A_267 : memref<1x2048xi32, #tpu.memory_space<vmem>> -> memref<2048xi32, #tpu.memory_space<vmem>>
      %dma_wait3A_269 = arith.constant 0 : i32
      %dma_wait3A_270 = tpu.memref_slice %arg3[%dma_wait3A_264, %dma_wait3A_269] : memref<2x6400000xi32, #tpu.memory_space<hbm>> -> memref<1x2048xi32, #tpu.memory_space<hbm>>
      %dma_wait3A_271 = tpu.memref_squeeze %dma_wait3A_270 : memref<1x2048xi32, #tpu.memory_space<hbm>> -> memref<2048xi32, #tpu.memory_space<hbm>>
      %dma_wait3A_272 = arith.constant 0 : i32
      %dma_wait3A_273 = tpu.memref_slice %arg8[%dma_wait3A_265, %dma_wait3A_272] : memref<2x2048xi32, #tpu.memory_space<vmem>> -> memref<1x2048xi32, #tpu.memory_space<vmem>>
      %dma_wait3A_274 = tpu.memref_squeeze %dma_wait3A_273 : memref<1x2048xi32, #tpu.memory_space<vmem>> -> memref<2048xi32, #tpu.memory_space<vmem>>
      %dma_wait3A_275 = arith.constant 0 : i32
      %dma_wait3A_276 = tpu.memref_slice %arg3[%dma_wait3A_264, %dma_wait3A_275] : memref<2x6400000xi32, #tpu.memory_space<hbm>> -> memref<1x2048xi32, #tpu.memory_space<hbm>>
      %dma_wait3A_277 = tpu.memref_squeeze %dma_wait3A_276 : memref<1x2048xi32, #tpu.memory_space<hbm>> -> memref<2048xi32, #tpu.memory_space<hbm>>
      tpu.wait_dma2 semaphore(%arg12 : memref<!tpu.dma_semaphore, #tpu.memory_space<semaphore_mem>>) src(%dma_wait3A_277 : memref<2048xi32, #tpu.memory_space<hbm>>) dst(%dma_wait3A_274 : memref<2048xi32, #tpu.memory_space<vmem>>)
      %parallel_loop3A_278 = arith.constant 0 : i32
      %parallel_loop3A_279 = arith.constant 2048 : i32
      %parallel_loop3A_280 = arith.constant 16 : i32
      scf.for %parallel_loop3A_287 = %parallel_loop3A_278 to %parallel_loop3A_279 step %parallel_loop3A_280  : i32 {
        %parallel_loop3A_288 = arith.constant 0 : i32
        %parallel_loop3A_289 = arith.index_cast %parallel_loop3A_288 : i32 to index
        %parallel_loop3A_290 = arith.index_cast %parallel_loop3A_287 : i32 to index
        %parallel_loop3A_291 = tpu.vector_load %arg8[%parallel_loop3A_289, %parallel_loop3A_290] {strides = array<i32>} : memref<2x2048xi32, #tpu.memory_space<vmem>>, vector<16xi32>,
        %parallel_loop3A_292 = arith.index_cast %parallel_loop3A_287 : i32 to index
        %parallel_loop3A_293 = tpu.vector_load %arg10[%parallel_loop3A_292] {strides = array<i32>} : memref<2048xf32, #tpu.memory_space<vmem>>, vector<16xf32>,
        tpu.vector_store_idx %arg6[%parallel_loop3A_291], %parallel_loop3A_293 {add = true} : memref<100000xf32, #tpu.memory_space<vmem>>[vector<16xi32>], vector<16xf32>,
      } {sc.loop_unroll_factor = 8 : i64, sc.parallel_access}
      %add3A_281 = arith.constant 2 : i32
      %add3A_282 = arith.addi %add3A_259, %add3A_281 : i32
      %lt3A_283 = arith.cmpi slt, %add3A_282, %select_n3A_46 : i32
      %convert_element_type3A_284 = arith.extui %lt3A_283 : i1 to i32
      %cond3A_285 = arith.constant 0 : i32
      %cond3A_286 = arith.cmpi ne, %convert_element_type3A_284, %cond3A_285 : i32
      scf.if %cond3A_286 {
        %add3A_287 = arith.constant 2 : i32
        %add3A_288 = arith.addi %add3A_259, %add3A_287 : i32
        %mul3A_289 = arith.constant 2048 : i32
        %mul3A_290 = arith.muli %add3A_288, %mul3A_289 : i32
        %dma_start3A_291 = tpu.memref_slice %arg5[%mul3A_290] : memref<6400000xf32, #tpu.memory_space<hbm>> -> memref<2048xf32, #tpu.memory_space<hbm>>
        %dma_start3A_292 = tpu.memref_slice %arg5[%mul3A_290] : memref<6400000xf32, #tpu.memory_space<hbm>> -> memref<2048xf32, #tpu.memory_space<hbm>>
        tpu.enqueue_dma source(%dma_start3A_292 : memref<2048xf32, #tpu.memory_space<hbm>>) target(%arg10 : memref<2048xf32, #tpu.memory_space<vmem>>) target_semaphore(%arg12 : memref<!tpu.dma_semaphore, #tpu.memory_space<semaphore_mem>>)
        %dma_start3A_293 = arith.constant 0 : i32
        %dma_start3A_294 = arith.constant 0 : i32
        %dma_start3A_295 = arith.constant 0 : i32
        %dma_start3A_296 = tpu.memref_slice %arg8[%dma_start3A_294, %dma_start3A_295] : memref<2x2048xi32, #tpu.memory_space<vmem>> -> memref<1x2048xi32, #tpu.memory_space<vmem>>
        %dma_start3A_297 = tpu.memref_squeeze %dma_start3A_296 : memref<1x2048xi32, #tpu.memory_space<vmem>> -> memref<2048xi32, #tpu.memory_space<vmem>>
        %dma_start3A_298 = tpu.memref_slice %arg3[%dma_start3A_293, %mul3A_290] : memref<2x6400000xi32, #tpu.memory_space<hbm>> -> memref<1x2048xi32, #tpu.memory_space<hbm>>
        %dma_start3A_299 = tpu.memref_squeeze %dma_start3A_298 : memref<1x2048xi32, #tpu.memory_space<hbm>> -> memref<2048xi32, #tpu.memory_space<hbm>>
        %dma_start3A_300 = arith.constant 0 : i32
        %dma_start3A_301 = tpu.memref_slice %arg8[%dma_start3A_294, %dma_start3A_300] : memref<2x2048xi32, #tpu.memory_space<vmem>> -> memref<1x2048xi32, #tpu.memory_space<vmem>>
        %dma_start3A_302 = tpu.memref_squeeze %dma_start3A_301 : memref<1x2048xi32, #tpu.memory_space<vmem>> -> memref<2048xi32, #tpu.memory_space<vmem>>
        %dma_start3A_303 = tpu.memref_slice %arg3[%dma_start3A_293, %mul3A_290] : memref<2x6400000xi32, #tpu.memory_space<hbm>> -> memref<1x2048xi32, #tpu.memory_space<hbm>>
        %dma_start3A_304 = tpu.memref_squeeze %dma_start3A_303 : memref<1x2048xi32, #tpu.memory_space<hbm>> -> memref<2048xi32, #tpu.memory_space<hbm>>
        tpu.enqueue_dma source(%dma_start3A_304 : memref<2048xi32, #tpu.memory_space<hbm>>) target(%dma_start3A_302 : memref<2048xi32, #tpu.memory_space<vmem>>) target_semaphore(%arg12 : memref<!tpu.dma_semaphore, #tpu.memory_space<semaphore_mem>>)
      } else {
      }
    }
    %jit3A_204 = arith.constant 2 : i32
    %eq3A_205 = arith.constant 0 : i32
    %eq3A_206 = arith.cmpi eq, %jit3A_204, %eq3A_205 : i32
    %jit3A_207 = arith.constant 1 : i32
    %select_n3A_208 = arith.select %eq3A_206, %jit3A_207, %jit3A_204 : i32
    %rem3A_209 = arith.remsi %sub3A_47, %select_n3A_208 : i32
    %ne3A_210 = arith.constant 0 : i32
    %ne3A_211 = arith.cmpi ne, %rem3A_209, %ne3A_210 : i32
    %lt3A_212 = arith.constant 0 : i32
    %lt3A_213 = arith.cmpi slt, %rem3A_209, %lt3A_212 : i32
    %lt3A_214 = arith.constant 0 : i32
    %lt3A_215 = arith.cmpi slt, %select_n3A_208, %lt3A_214 : i32
    %ne3A_216 = arith.xori %lt3A_213, %lt3A_215 : i1
    %and3A_217 = arith.andi %ne3A_216, %ne3A_211 : i1
    %add3A_218 = arith.addi %rem3A_209, %select_n3A_208 : i32
    %select_n3A_219 = arith.select %and3A_217, %add3A_218, %rem3A_209 : i32
    %eq3A_220 = arith.constant 1 : i32
    %eq3A_221 = arith.cmpi eq, %select_n3A_219, %eq3A_220 : i32
    %convert_element_type3A_222 = arith.extui %eq3A_221 : i1 to i32
    %cond3A_223 = arith.constant 0 : i32
    %cond3A_224 = arith.cmpi ne, %convert_element_type3A_222, %cond3A_223 : i32
    scf.if %cond3A_224 {
      %sub3A_225 = arith.constant 1 : i32
      %sub3A_226 = arith.subi %select_n3A_46, %sub3A_225 : i32
      %dma_wait3A = arith.constant 0 : i32
      %dma_wait3A_227 = tpu.memref_slice %arg5[%dma_wait3A] : memref<6400000xf32, #tpu.memory_space<hbm>> -> memref<2048xf32, #tpu.memory_space<hbm>>
      %dma_wait3A_228 = arith.constant 0 : i32
      %dma_wait3A_229 = tpu.memref_slice %arg5[%dma_wait3A_228] : memref<6400000xf32, #tpu.memory_space<hbm>> -> memref<2048xf32, #tpu.memory_space<hbm>>
      tpu.wait_dma2 semaphore(%arg11 : memref<!tpu.dma_semaphore, #tpu.memory_space<semaphore_mem>>) src(%dma_wait3A_229 : memref<2048xf32, #tpu.memory_space<hbm>>) dst(%arg9 : memref<2048xf32, #tpu.memory_space<vmem>>)
      %dma_wait3A_230 = arith.constant 0 : i32
      %dma_wait3A_231 = arith.constant 0 : i32
      %dma_wait3A_232 = arith.constant 0 : i32
      %dma_wait3A_233 = tpu.memref_slice %arg7[%dma_wait3A_231, %dma_wait3A_232] : memref<2x2048xi32, #tpu.memory_space<vmem>> -> memref<1x2048xi32, #tpu.memory_space<vmem>>
      %dma_wait3A_234 = tpu.memref_squeeze %dma_wait3A_233 : memref<1x2048xi32, #tpu.memory_space<vmem>> -> memref<2048xi32, #tpu.memory_space<vmem>>
      %dma_wait3A_235 = arith.constant 0 : i32
      %dma_wait3A_236 = tpu.memref_slice %arg3[%dma_wait3A_230, %dma_wait3A_235] : memref<2x6400000xi32, #tpu.memory_space<hbm>> -> memref<1x2048xi32, #tpu.memory_space<hbm>>
      %dma_wait3A_237 = tpu.memref_squeeze %dma_wait3A_236 : memref<1x2048xi32, #tpu.memory_space<hbm>> -> memref<2048xi32, #tpu.memory_space<hbm>>
      %dma_wait3A_238 = arith.constant 0 : i32
      %dma_wait3A_239 = tpu.memref_slice %arg7[%dma_wait3A_231, %dma_wait3A_238] : memref<2x2048xi32, #tpu.memory_space<vmem>> -> memref<1x2048xi32, #tpu.memory_space<vmem>>
      %dma_wait3A_240 = tpu.memref_squeeze %dma_wait3A_239 : memref<1x2048xi32, #tpu.memory_space<vmem>> -> memref<2048xi32, #tpu.memory_space<vmem>>
      %dma_wait3A_241 = arith.constant 0 : i32
      %dma_wait3A_242 = tpu.memref_slice %arg3[%dma_wait3A_230, %dma_wait3A_241] : memref<2x6400000xi32, #tpu.memory_space<hbm>> -> memref<1x2048xi32, #tpu.memory_space<hbm>>
      %dma_wait3A_243 = tpu.memref_squeeze %dma_wait3A_242 : memref<1x2048xi32, #tpu.memory_space<hbm>> -> memref<2048xi32, #tpu.memory_space<hbm>>
      tpu.wait_dma2 semaphore(%arg11 : memref<!tpu.dma_semaphore, #tpu.memory_space<semaphore_mem>>) src(%dma_wait3A_243 : memref<2048xi32, #tpu.memory_space<hbm>>) dst(%dma_wait3A_240 : memref<2048xi32, #tpu.memory_space<vmem>>)
      %parallel_loop3A_244 = arith.constant 0 : i32
      %parallel_loop3A_245 = arith.constant 2048 : i32
      %parallel_loop3A_246 = arith.constant 16 : i32
      scf.for %parallel_loop3A_253 = %parallel_loop3A_244 to %parallel_loop3A_245 step %parallel_loop3A_246  : i32 {
        %parallel_loop3A_254 = arith.constant 0 : i32
        %parallel_loop3A_255 = arith.index_cast %parallel_loop3A_254 : i32 to index
        %parallel_loop3A_256 = arith.index_cast %parallel_loop3A_253 : i32 to index
        %parallel_loop3A_257 = tpu.vector_load %arg7[%parallel_loop3A_255, %parallel_loop3A_256] {strides = array<i32>} : memref<2x2048xi32, #tpu.memory_space<vmem>>, vector<16xi32>,
        %parallel_loop3A_258 = arith.index_cast %parallel_loop3A_253 : i32 to index
        %parallel_loop3A_259 = tpu.vector_load %arg9[%parallel_loop3A_258] {strides = array<i32>} : memref<2048xf32, #tpu.memory_space<vmem>>, vector<16xf32>,
        tpu.vector_store_idx %arg6[%parallel_loop3A_257], %parallel_loop3A_259 {add = true} : memref<100000xf32, #tpu.memory_space<vmem>>[vector<16xi32>], vector<16xf32>,
      } {sc.loop_unroll_factor = 8 : i64, sc.parallel_access}
      %add3A_247 = arith.constant 2 : i32
      %add3A_248 = arith.addi %sub3A_226, %add3A_247 : i32
      %lt3A_249 = arith.cmpi slt, %add3A_248, %select_n3A_46 : i32
      %convert_element_type3A_250 = arith.extui %lt3A_249 : i1 to i32
      %cond3A_251 = arith.constant 0 : i32
      %cond3A_252 = arith.cmpi ne, %convert_element_type3A_250, %cond3A_251 : i32
      scf.if %cond3A_252 {
        %add3A_253 = arith.constant 2 : i32
        %add3A_254 = arith.addi %sub3A_226, %add3A_253 : i32
        %mul3A_255 = arith.constant 2048 : i32
        %mul3A_256 = arith.muli %add3A_254, %mul3A_255 : i32
        %dma_start3A_257 = tpu.memref_slice %arg5[%mul3A_256] : memref<6400000xf32, #tpu.memory_space<hbm>> -> memref<2048xf32, #tpu.memory_space<hbm>>
        %dma_start3A_258 = tpu.memref_slice %arg5[%mul3A_256] : memref<6400000xf32, #tpu.memory_space<hbm>> -> memref<2048xf32, #tpu.memory_space<hbm>>
        tpu.enqueue_dma source(%dma_start3A_258 : memref<2048xf32, #tpu.memory_space<hbm>>) target(%arg9 : memref<2048xf32, #tpu.memory_space<vmem>>) target_semaphore(%arg11 : memref<!tpu.dma_semaphore, #tpu.memory_space<semaphore_mem>>)
        %dma_start3A_259 = arith.constant 0 : i32
        %dma_start3A_260 = arith.constant 0 : i32
        %dma_start3A_261 = arith.constant 0 : i32
        %dma_start3A_262 = tpu.memref_slice %arg7[%dma_start3A_260, %dma_start3A_261] : memref<2x2048xi32, #tpu.memory_space<vmem>> -> memref<1x2048xi32, #tpu.memory_space<vmem>>
        %dma_start3A_263 = tpu.memref_squeeze %dma_start3A_262 : memref<1x2048xi32, #tpu.memory_space<vmem>> -> memref<2048xi32, #tpu.memory_space<vmem>>
        %dma_start3A_264 = tpu.memref_slice %arg3[%dma_start3A_259, %mul3A_256] : memref<2x6400000xi32, #tpu.memory_space<hbm>> -> memref<1x2048xi32, #tpu.memory_space<hbm>>
        %dma_start3A_265 = tpu.memref_squeeze %dma_start3A_264 : memref<1x2048xi32, #tpu.memory_space<hbm>> -> memref<2048xi32, #tpu.memory_space<hbm>>
        %dma_start3A_266 = arith.constant 0 : i32
        %dma_start3A_267 = tpu.memref_slice %arg7[%dma_start3A_260, %dma_start3A_266] : memref<2x2048xi32, #tpu.memory_space<vmem>> -> memref<1x2048xi32, #tpu.memory_space<vmem>>
        %dma_start3A_268 = tpu.memref_squeeze %dma_start3A_267 : memref<1x2048xi32, #tpu.memory_space<vmem>> -> memref<2048xi32, #tpu.memory_space<vmem>>
        %dma_start3A_269 = tpu.memref_slice %arg3[%dma_start3A_259, %mul3A_256] : memref<2x6400000xi32, #tpu.memory_space<hbm>> -> memref<1x2048xi32, #tpu.memory_space<hbm>>
        %dma_start3A_270 = tpu.memref_squeeze %dma_start3A_269 : memref<1x2048xi32, #tpu.memory_space<hbm>> -> memref<2048xi32, #tpu.memory_space<hbm>>
        tpu.enqueue_dma source(%dma_start3A_270 : memref<2048xi32, #tpu.memory_space<hbm>>) target(%dma_start3A_268 : memref<2048xi32, #tpu.memory_space<vmem>>) target_semaphore(%arg11 : memref<!tpu.dma_semaphore, #tpu.memory_space<semaphore_mem>>)
      } else {
      }
    } else {
    }
    "tpu.region"() ({
      %run_scoped3A = tpu.sem_alloc : memref<!tpu.dma_semaphore, #tpu.memory_space<semaphore_mem>>
      %dma_start3A_225 = arith.constant 0 : i32
      %dma_start3A_226 = tpu.memref_slice %arg4[%add3A, %dma_start3A_225] : memref<32x100000xf32, #tpu.memory_space<hbm>> -> memref<1x100000xf32, #tpu.memory_space<hbm>>
      %dma_start3A_227 = tpu.memref_squeeze %dma_start3A_226 : memref<1x100000xf32, #tpu.memory_space<hbm>> -> memref<100000xf32, #tpu.memory_space<hbm>>
      %dma_start3A_228 = arith.constant 0 : i32
      %dma_start3A_229 = tpu.memref_slice %arg4[%add3A, %dma_start3A_228] : memref<32x100000xf32, #tpu.memory_space<hbm>> -> memref<1x100000xf32, #tpu.memory_space<hbm>>
      %dma_start3A_230 = tpu.memref_squeeze %dma_start3A_229 : memref<1x100000xf32, #tpu.memory_space<hbm>> -> memref<100000xf32, #tpu.memory_space<hbm>>
      tpu.enqueue_dma source(%arg6 : memref<100000xf32, #tpu.memory_space<vmem>>) target(%dma_start3A_230 : memref<100000xf32, #tpu.memory_space<hbm>>) target_semaphore(%run_scoped3A : memref<!tpu.dma_semaphore, #tpu.memory_space<semaphore_mem>>)
      %dma_wait3A = arith.constant 0 : i32
      %dma_wait3A_231 = tpu.memref_slice %arg4[%add3A, %dma_wait3A] : memref<32x100000xf32, #tpu.memory_space<hbm>> -> memref<1x100000xf32, #tpu.memory_space<hbm>>
      %dma_wait3A_232 = tpu.memref_squeeze %dma_wait3A_231 : memref<1x100000xf32, #tpu.memory_space<hbm>> -> memref<100000xf32, #tpu.memory_space<hbm>>
      %dma_wait3A_233 = arith.constant 0 : i32
      %dma_wait3A_234 = tpu.memref_slice %arg4[%add3A, %dma_wait3A_233] : memref<32x100000xf32, #tpu.memory_space<hbm>> -> memref<1x100000xf32, #tpu.memory_space<hbm>>
      %dma_wait3A_235 = tpu.memref_squeeze %dma_wait3A_234 : memref<1x100000xf32, #tpu.memory_space<hbm>> -> memref<100000xf32, #tpu.memory_space<hbm>>
      tpu.wait_dma2 semaphore(%run_scoped3A : memref<!tpu.dma_semaphore, #tpu.memory_space<semaphore_mem>>) src(%arg6 : memref<100000xf32, #tpu.memory_space<vmem>>) dst(%dma_wait3A_235 : memref<100000xf32, #tpu.memory_space<hbm>>)
      tpu.yield
    }) : () -> ()
    return
  }
}

module attributes {stable_mosaic.version = 14 : i64} {
  func.func @reduce_kernel(%arg0: memref<32x100000xf32, #tpu.memory_space<vmem>>, %arg1: memref<1x100000xf32, #tpu.memory_space<vmem>>) attributes {dimension_semantics = [], scalar_prefetch = 0 : i64, scratch_operands = 0 : i64, tpu.core_type = #tpu.core_type<tc>} {
    %get3A = arith.constant 0 : index
    %get3A_0 = arith.constant 0 : index
    %get3A_1 = vector.load %arg0[%get3A, %get3A_0] : memref<32x100000xf32, #tpu.memory_space<vmem>>, vector<32x100000xf32>
    %reduce_sum3A = arith.constant dense<0.000000e+00> : vector<100000xf32>
    %reduce_sum3A_2 = vector.multi_reduction <add>, %get3A_1, %reduce_sum3A [0] : vector<32x100000xf32> to vector<100000xf32>
    %broadcast_in_dim3A = vector.shape_cast %reduce_sum3A_2 : vector<100000xf32> to vector<1x100000xf32>
    %mul3A = arith.constant 9.99999974E-6 : f32
    %mul3A_3 = vector.broadcast %mul3A : f32 to vector<1x100000xf32>
    %mul3A_4 = arith.mulf %broadcast_in_dim3A, %mul3A_3 : vector<1x100000xf32>
    %swap3A = arith.constant 0 : index
    %swap3A_5 = arith.constant 0 : index
    %swap3A_6 = vector.load %arg1[%swap3A, %swap3A_5] : memref<1x100000xf32, #tpu.memory_space<vmem>>, vector<1x100000xf32>
    tpu.vector_store %arg1[%swap3A, %swap3A_5], %mul3A_4 {strides = array<i32>} : memref<1x100000xf32, #tpu.memory_space<vmem>>, vector<1x100000xf32>,
    return
  }
}

</mosaic_0001>

<sc_bundles>
// kernel: _rd_system.4.cloned.1.call-start
scs
__scs_entry_jumppad:
0x0: {  	(pc) =	sbr.rel $0x88, $3  }
0x1: {  	(tag) =	ssettag $0x0;
	lr =	simm.s32 $0x1  }
0x2: {  	[smem:$0x3F9F] =	sst lr;
	_ =	strace $0xD0000000  }
0x3: {  	_ = 	snop  }
0x4: {  	_ = 	snop  }
0x5: {  	_ = 	snop  }
0x6: {  	_ = 	snop  }
0x7: {  	_ = 	snop  }
__scs_overlays_trampoline_lowered:
0x8: {  	[smem:$0x3FAE] =	sst s0  }
0x9: {  	[smem:$0x3FAF] =	sst s1  }
0xa: {  	[smem:$0x3FB0] =	sst s2  }
0xb: {  	[smem:$0x3FB1] =	sst s3  }
0xc: {  	[smem:$0x3FB2] =	sst s4  }
0xd: {  	[smem:$0x3FB3] =	sst s5  }
0xe: {  	[smem:$0x3FB4] =	sst s6  }
0xf: {  	[smem:$0x3FB5] =	sst s7  }
0x10: {  	[smem:$0x3FB6] =	sst s8  }
0x11: {  	[smem:$0x3FB7] =	sst s9;
	s0 =	simm.s32 @!p0 $0x0  }
0x12: {  	s1 =	sld [smem:$0x3F9D];
	s0 =	simm.s32 @p0 $0x1  }
0x13: {  	[smem:$0x3FB8] =	sst s0;
	s0 =	simm.s32 @!p1 $0x0  }
0x14: {  	s2 =	sld [smem:$0x3F9C];
	s0 =	simm.s32 @p1 $0x1  }
0x15: {  	[smem:$0x3FB9] =	sst s0;
	s0 =	simm.s32 @!p2 $0x0  }
0x16: {  	s3 =	sld [smem:$0x3FDB];
	s0 =	simm.s32 @p2 $0x1  }
0x17: {  	s4 =	simm.s32 $0x1BF5;
	[smem:$0x3FBB] =	sst s0  }
0x18: {  	s0 =	sld [smem:$0x3F9E];
	_ =	swait.ge [sflag:s4], $0x0  }
0x19: {  	s7 =	sld [smem:$0x3F9F]  }
0x1a: {  	s8 =	sadd.s32 $0xFFFFE003, lr  }
0x1b: {  	s9 =	sadd.s32 $0xFFFFFEF7, lr;
	s5 =	simm.s32 $0xFFFFFFFF;
	p2 =	slt.u32 s8, $0xFFFFF086  }
0x1c: {  	p1 =	slt.u32 s9, $0xF7A;
	s5 =	simm.s32 @!p2 $0x0  }
0x1d: {  	s5 =	simm.s32 @p1 $0x1;
	p0 =	seq.s32 s7, s2  }
0x1e: {  	s7 =	smul.u32 @!p0 $0xF7A, s2;
	p2 =	seq.s32 @!p0 s5, $0x0  }
0x1f: {  	s9 =	smul.u32 $0xF7A, s1;
	s8 =	simm.s32 @!p0 $0x1BF5;
	p2 =	por !p2, p0  }
0x20: {  	[sflag:s8] =	ssyncset.s32 @!p0 $0xFFFFF086;
	s6 =	sadd.s32 @!p0 s3, s7;
	s7 =	simm.s32 @!p0 $0x108  }
0x21: {  	s3 =	sadd.s32 s3, s9;
	s6 =	sadd.s32 @!p0 $0x88, s6;
	s7 =	simm.s32 @p2 $0x1082  }
0x22: {  	[simem:s7], [sflag:s8] =	dma.local @!p0 [hbm:s6], $0xF7A  }
0x23: {  	s9 =	sor.u32 $0xD0000000, s2;
	s6 =	simm.s32 $0x108;
	_ =	swait.ge @!p0 [sflag:s8], $0x0  }
0x24: {  	s3 =	sadd.s32 $0x88, s3;
	s6 =	simm.s32 @!p1 $0x1082;
	[sflag:s4] =	ssyncset.s32 $0xFFFFF086  }
0x25: {  	[simem:s6], [sflag:s4] =	dma.local [hbm:s3], $0xF7A  }
0x26: {  	[smem:$0x3F9F] =	sst s1;
	(tag) =	ssettag s2;
	_ =	strace s9  }
0x27: {  	s1 =	sld [smem:$0x3FAF]  }
0x28: {  	s2 =	sld [smem:$0x3FB0]  }
0x29: {  	s4 =	sld [smem:$0x3FB2]  }
0x2a: {  	p0 =	seq.s32 s5, $0x0;
	s5 =	sld [smem:$0x3FB3]  }
0x2b: {  	s6 =	sld [smem:$0x3FB4]  }
0x2c: {  	s7 =	sld [smem:$0x3FB5]  }
0x2d: {  	s3 =	simm.s32 $0x108;
	s8 =	sld [smem:$0x3FB6]  }
0x2e: {  	s3 =	simm.s32 @!p0 $0x1082;
	s9 =	sld [smem:$0x3FB7]  }
0x2f: {  	lr =	sadd.s32 s0, s3;
	s0 =	sld [smem:$0x3FAE]  }
0x30: {  	s3 =	sld [smem:$0x3FB1]  }
0x31: {  	[smem:$0x3FBA] =	sst s10  }
0x32: {  	s10 =	sld [smem:$0x3FB8];
	_ =	sdelay $0x3  }
0x33: {  	p0 =	seq.s32 s10, $0x1;
	s10 =	sld [smem:$0x3FBA];
	_ =	sdelay $0x3  }
0x34: {  	[smem:$0x3FBA] =	sst s10  }
0x35: {  	s10 =	sld [smem:$0x3FB9];
	_ =	sdelay $0x3  }
0x36: {  	p1 =	seq.s32 s10, $0x1;
	s10 =	sld [smem:$0x3FBA];
	_ =	sdelay $0x3  }
0x37: {  	[smem:$0x3FBA] =	sst s10  }
0x38: {  	s10 =	sld [smem:$0x3FBB]  }
0x39: {  	_ = 	snop;
	(pc) =	sbr.ind lr, $3  }
0x3a: {  	_ = 	snop  }
0x3b: {  	_ = 	snop  }
0x3c: {  	p2 =	seq.s32 s10, $0x1;
	s10 =	sld [smem:$0x3FBA]  }
0x3d: {  	_ =	shalt  }
0x3e: {  	_ =	shalt  }
0x3f: {  	_ =	shalt  }
0x40: {  	_ =	shalt  }
0x41: {  	_ =	shalt  }
0x42: {  	_ =	shalt  }
0x43: {  	_ =	shalt  }
0x44: {  	_ =	shalt  }
0x45: {  	_ =	shalt  }
0x46: {  	_ =	shalt  }
0x47: {  	_ =	shalt  }
0x48: {  	_ =	shalt  }
0x49: {  	_ =	shalt  }
0x4a: {  	_ =	shalt  }
0x4b: {  	_ =	shalt  }
0x4c: {  	_ =	shalt  }
0x4d: {  	_ =	shalt  }
0x4e: {  	_ =	shalt  }
0x4f: {  	_ =	shalt  }
0x50: {  	_ =	shalt  }
0x51: {  	_ =	shalt  }
0x52: {  	_ =	shalt  }
0x53: {  	_ =	shalt  }
0x54: {  	_ =	shalt  }
0x55: {  	_ =	shalt  }
0x56: {  	_ =	shalt  }
0x57: {  	_ =	shalt  }
0x58: {  	_ =	shalt  }
0x59: {  	_ =	shalt  }
0x5a: {  	_ =	shalt  }
0x5b: {  	_ =	shalt  }
0x5c: {  	_ =	shalt  }
0x5d: {  	_ =	shalt  }
0x5e: {  	_ =	shalt  }
0x5f: {  	_ =	shalt  }
0x60: {  	_ =	shalt  }
0x61: {  	_ =	shalt  }
0x62: {  	_ =	shalt  }
0x63: {  	_ =	shalt  }
0x64: {  	_ =	shalt  }
0x65: {  	_ =	shalt  }
0x66: {  	_ =	shalt  }
0x67: {  	_ =	shalt  }
0x68: {  	_ =	shalt  }
0x69: {  	_ =	shalt  }
0x6a: {  	_ =	shalt  }
0x6b: {  	_ =	shalt  }
0x6c: {  	_ =	shalt  }
0x6d: {  	_ =	shalt  }
0x6e: {  	_ =	shalt  }
0x6f: {  	_ =	shalt  }
0x70: {  	_ =	shalt  }
0x71: {  	_ =	shalt  }
0x72: {  	_ =	shalt  }
0x73: {  	_ =	shalt  }
0x74: {  	_ =	shalt  }
0x75: {  	_ =	shalt  }
0x76: {  	_ =	shalt  }
0x77: {  	_ =	shalt  }
0x78: {  	_ =	shalt  }
0x79: {  	_ =	shalt  }
0x7a: {  	_ =	shalt  }
0x7b: {  	_ =	shalt  }
0x7c: {  	_ =	shalt  }
0x7d: {  	_ =	shalt  }
0x7e: {  	_ =	shalt  }
0x7f: {  	_ =	shalt  }
0x80: {  	_ =	shalt  }
0x81: {  	_ =	shalt  }
0x82: {  	_ =	shalt  }
0x83: {  	_ =	shalt  }
0x84: {  	_ =	shalt  }
0x85: {  	_ =	shalt  }
0x86: {  	_ =	shalt  }
0x87: {  	_ =	shalt  }
.Lfunc_end0:
.L_simem_size_0:
called_computation_lowered:
.L_overlay_start_0:
0x88: {  	s2 =	sld [smem:$0x3FD9]  }
0x89: {  	s3 =	sld [smem:$0x3FFE];
	_ =	sdelay $0x1  }
0x8a: {  	s1 =	srdreg.scid  }
0x8b: {  	s0 =	sand.u32 $0x1, s1  }
0x8c: {  	s17 =	sshll.u32 s0, $0xA;
	s2 =	sadd.s32 s3, s2  }
0x8d: {  	s2 =	sadd.s32 s2, s17  }
0x8e: {  	[smem:$0x3FC6] =	sst s2  }
0x8f: {  	_ = 	snop  }
0x90: {  	s2 =	sld [smem:$0x3FC9]  }
0x91: {  	s18 =	sld [smem:$0x3FC8];
	(tm) =	ssettm $0x1  }
0x92: {  	s4 =	sld [smem:$0x3FFB];
	_ =	sdelay $0x3  }
0x93: {  	_ =	strace s4  }
0x94: {  	s4 =	sld [smem:$0x3FFC];
	_ =	sdelay $0x3  }
0x95: {  	_ =	strace s4  }
0x96: {  	s4 =	sld [smem:$0x3FFD];
	_ =	sdelay $0x3  }
0x97: {  	_ =	strace s4  }
0x98: {  	_ =	strace $0x8FFFFFFF  }
0x99: {  	s19 =	sld [smem:$0x3FDB];
	_ =	sdelay $0x1  }
0x9a: {  	s5 =	simm.s32 $_scs_section_size  }
0x9b: {  	s6 =	simm.s32 $_size__tile_overlayer_lowered;
	s7 =	simm.s32 $_tile_overlayer_lowered  }
0x9c: {  	s22 =	simm.s32 $0x1BFF;
	s21 =	sshll.u32 s7, $0x1;
	s4 =	sadd.s32 s5, s19  }
0x9d: {  	s8 =	simm.s32 $0x0;
	s20 =	sshll.u32 s6, $0x1;
	s6 =	sadd.s32 s21, s4  }
0x9e: {  	[timem:s8], [sflag:s22] =	dma.local [hbm:s6], s20  }
0x9f: {  	_ =	swait.ge [sflag:s22], s20  }
0xa0: {  	s5 =	ssub.s32 $0x0, s20;
	[sflag:s22] =	ssyncset.done $0x0  }
0xa1: {  	[sflag:s22] =	ssyncadd.s32 s5;
	_ =	sdelay $0x1  }
0xa2: {  	s23 =	simm.s32 $0x1B8B  }
0xa3: {  	_ =	swait.ge [sflag:s23], $0x1  }
0xa4: {  	[sflag:s23] =	ssyncset.done $0x0  }
0xa5: {  	s25 =	simm.s32 $0x1B8E;
	s24 =	sld [smem:$0x3FFE];
	[sflag:s23] =	ssyncadd.s32 $0xFFFFFFFF  }
0xa6: {  	s26 =	simm.s32 $execute0_lowered;
	[smem:$0x3FD2] =	sst s25  }
0xa7: {  	s6 =	sshll.u32 s26, $0x1;
	_ =	strace $0x80000046;
	[dreg:$0x1] =	wrdreg $0xFFFFFFFF  }
0xa8: {  	s28 =	simm.s32 $_size_execute0_lowered;
	s4 =	sadd.s32 s4, s6;
	[dreg:$0x0] =	wrdreg $0x0  }
0xa9: {  	s6 =	sshll.u32 s28, $0x1;
	[dreg:$0x2] =	wrdreg s4  }
0xaa: {  	[dreg:$0x3] =	wrdreg s6  }
0xab: {  	[dreg:$0x4] =	wrdreg $0xC0  }
0xac: {  	_ =	task [dreg:s8], $0x5FFFF  }
0xad: {  	[dreg:$0x1] =	wrdreg $0xFFFFFFFF  }
0xae: {  	[dreg:$0x0] =	wrdreg $0x60  }
0xaf: {  	[dreg:$0x2] =	wrdreg s2  }
0xb0: {  	[dreg:$0x3] =	wrdreg s18  }
0xb1: {  	[dreg:$0x4] =	wrdreg s24  }
0xb2: {  	[dreg:$0x5] =	wrdreg $0x9  }
0xb3: {  	_ =	task.clear_ibuf [dreg:s8], $0x6FFFF;
	_ =	strace $0x90000046  }
0xb4: {  	s29 =	simm.s32 $0x9;
	_ =	strace $0x80000048  }
0xb5: {  	_ =	swait.ge [sflag:s29], $0x1  }
0xb6: {  	[sflag:s29] =	ssyncadd.s32 $0xFFFFFFFF  }
0xb7: {  	_ =	strace $0x90000048  }
0xb8: {  	_ =	sfence  }
0xb9: {  	s30 =	sld [smem:$0x0];
	_ =	sdelay $0x2  }
0xba: {  	s31 =	sshll.u32 s1, $0xD;
	s1 =	sshrl.u32 s1, $0x2  }
0xbb: {  	s3 =	sand.u32 $0x4000, s31;
	s1 =	sadd.s32 s1, s30  }
0xbc: {  	s0 =	sor.u32 s3, s0;
	s1 =	sshll.u32 s1, $0x11  }
0xbd: {  	s0 =	sor.u32 s1, s0  }
0xbe: {  	s0 =	sadd.s32 $0x8F2B, s0  }
0xbf: {  	[sflag:s0] =	ssyncadd.remote.s32 $0x1  }
0xc0: {  	_ =	sfence.sel $0xFFFF  }
0xc1: {  	[dreg:$0x0] =	wrdreg $0xFFFFFFFF;
	(pc) =	sbr.abs _section_cstart, $3  }
0xc2: {  	[dreg:$0x1] =	wrdreg $0xFFFFFFFF  }
0xc3: {  	_ =	task.clear_ibuf [dreg:s8], $0x2FFFF;
	_ =	strace $0x9FFFFFFF  }
0xc4: {  	(tm) =	ssettm $0x7FFFFFFF  }
0xc5: {  	_ =	shalt  }
tec
execute0_lowered:
.L_overlay_start_1:
0x0: {  	(tag) =	ssettag $0x1  }
0x1: {  	s0 =	srdreg.scid;
	s3 =	rddreg [dreg:$0x1]  }
0x2: {  	s15 =	stileid.u32;
	s2 =	rddreg [dreg:$0x2];
	s4 =	simm.s32 $0x0  }
0x3: {  	s12 =	simm.s32 $0x1;
	s29 =	simm.s32 $0x1A500;
	s30 =	simm.s32 $0x1A600  }
0x4: {  	s1 =	sshll.u32 s15, $0x1;
	s5 =	sshrl.u32 s15, $0x2;
	s15 =	smul.u32 $0x186A, s15  }
0x5: {  	s31 =	simm.s32 $0x80;
	s0 =	sand.u32 $0x1, s0;
	s7 =	smul.u32 $0xC3800, s5  }
0x6: {  	s1 =	sor.u32 s0, s1;
	s10 =	ssub.s32 $0x2, s0;
	s0 =	smul.u32 $0xC35, s0  }
0x7: {  	[smem:$0x7FF] =	sst s4;
	s8 =	smul.u32 $0xC35, s1;
	s1 =	sshll.u32 s1, $0x7  }
0x8: {  	_ =	strace $0x80000047;
	s28 =	sshrl.u32 s10, $0x1;
	s1 =	sand.u32 $0x380, s1  }
0x9: {  	s0 =	sadd.s32 s0, s15;
	s6 =	sadd.s32 $0xC35, s8;
	s5 =	sshrl.u32 s8, $0x5  }
0xa: {  	s1 =	sor.u32 s7, s1;
	s7 =	sadd.s32 $0x600, s2;
	s8 =	sshrl.u32 s8, $0x1  }
0xb: {  	s0 =	sshrl.u32 s0, $0x5;
	s6 =	sshrl.u32 s6, $0x5;
	s1 =	sshrl.u32 s1, $0x3  }
0xc: {  	s17 =	sand.u32 $0xFFF0, s8;
	s20 =	sshll.u32 s5, $0xB;
	s9 =	ssub.s32 s6, s5  }
0xd: {  	s1 =	sadd.s32 s1, s2;
	p0 =	sne.s32 s6, s5;
	s2 =	ssub.s32 s10, s28  }
0xe: {  	s8 =	sshll.u32 s17, $0x5;
	s10 =	simm.s32 $0x1;
	s26 =	sand.u32 $0x8000, s9  }
0xf: {  	s21 =	sadd.s32 $0x800, s20;
	s24 =	sshll.u32 s17, $0x4;
	s11 =	sshrl.u32 s26, $0xF  }
0x10: {  	s17 =	sadd.s32 $0x3, s0;
	s20 =	simm.s32 $0x19700;
	s11 =	sadd.s32 s11, s9  }
0x11: {  	s14 =	sshra.s32 s9, $0x1F;
	s12 =	simm.s32 @!p0 $0x0;
	s13 =	sand.u32 $0xFFFFFFFE, s11  }
0x12: {  	s8 =	sadd.s32 s3, s8;
	s25 =	sshrl.u32 s21, $0x3;
	s13 =	ssub.s32 s9, s13  }
0x13: {  	s15 =	smax.u32 s2, $0x1;
	s14 =	sor.u32 s12, s14;
	s16 =	sand.u32 $0xFFFF, s13  }
0x14: {  	s2 =	simm.s32 $0x400;
	p6 =	sne.s32 s14, $0x1;
	p1 =	sne.s32 s16, $0x0  }
0x15: {  	s12 =	sadd.s32 s7, s24;
	s26 =	sshll.u32 s0, $0x9;
	p0 =	por !p1, !p6  }
0x16: {  	s0 =	simm.s32 $0x0;
	s19 =	sshll.u32 s11, $0x10;
	p0 =	por !p0, !p0  }
0x17: {  	s14 =	sadd.s32 $0xC3C00, s1;
	s9 =	sshra.s32 s19, $0x11;
	s10 =	simm.s32 @!p0 $0x0  }
0x18: {  	s28 =	sadd.s32 s26, s3;
	s11 =	sshrl.u32 s21, $0x2;
	s18 =	ssub.s32 s9, s10  }
0x19: {  	s21 =	simm.s32 $0x2;
	s9 =	sshll.u32 s18, $0x1;
	s10 =	sshrl.u32 s18, $0x1F  }
.Ltmp0:
0x1a: {  	s19 =	simm.s32 $0x18700;
	s16 =	sor.u32 s9, s10;
	(pc) =	sbr.rel .LBB2_1-.Ltmp0, $4  }
0x1b: {  	s22 =	sand.u32 $0x1, s13;
	s13 =	sadd.s32 s7, s25;
	s23 =	sadd.s32 $0x1, s16  }
0x1c: {  	p1 =	seq.s32 s22, $0x0;
	s9 =	sadd.s32 s3, s11;
	s11 =	sshra.s32 s23, $0x1  }
0x1d: {  	s10 =	simm.s32 $0x1;
	s16 =	sadd.s32 $0x600, s28;
	p0 =	sgt.s32 s11, $0x1  }
0x1e: {  	v0 =	vimm.f32 $0.0e+00;
	s11 =	simm.s32 @!p0 $0x1;
	p0 =	slt.s32 s18, $0x1;
	s18 =	simm.s32 $0x3  }
.LBB2_18:
0x1f: {  	s0 =	sadd.s32 $0x1, s0  }
0x20: {  	p2 =	sne.s32 s0, s15  }
.Ltmp1:
0x21: {  	_ = 	snop;
	(pc) =	sbr.rel @!p2 .LBB2_19-.Ltmp1, $4  }
0x22: {  	[hbm4b:s14+s31] =	stream.strided.scatter [tilespmem:s4], [sflag:$0x3], $0x18700, s2, s31, $0x38;
	[tilespmem:$0x1B700] =	vst v63  }
0x23: {  	_ =	swait.ge [sflag:s18], $0x18700  }
0x24: {  	[sflag:s18] =	ssyncset.done $0x0  }
0x25: {  	[sflag:s18] =	ssyncadd.s32 $0xFFFE7900  }
.LBB2_1:
0x26: {  	s1 =	rddreg [dreg:$0x0]  }
0x27: {  	[tilespmem:s4], [sflag:$0x3] =	stream.linear.gather [hbm4b:s1+s4], $0x18700, $0x38;
	[tilespmem:$0x1B700] =	vst v63  }
0x28: {  	_ =	swait.ge [sflag:s18], $0x18700  }
.Ltmp2:
0x29: {  	[sflag:s18] =	ssyncset.done $0x0;
	(pc) =	sbr.rel @p0 .LBB2_5-.Ltmp2, $4  }
0x2a: {  	[sflag:s18] =	ssyncadd.s32 $0xFFFE7900  }
0x2b: {  	[tilespmem:s19], [sflag:$0x1] =	stream.linear.gather [hbm4b:s8+s4], $0x1000, $0x38;
	[tilespmem:$0x1B700] =	vst v63  }
0x2c: {  	_ = 	snop  }
0x2d: {  	[tilespmem:s20], [sflag:$0x2] =	stream.linear.gather [hbm4b:s9+s4], $0x1000, $0x38;
	[tilespmem:$0x1B700] =	vst v63  }
0x2e: {  	s22 =	sadd.s32 $0xFFFFFFFF, s17;
	s1 =	sadd.s32 $0xFFFFFFFF, s11  }
0x2f: {  	_ =	swait.ge [sflag:s10], $0x1000;
	p2 =	sge.s32 s22, s6;
	p3 =	sne.s32 s1, $0x0  }
0x30: {  	[sflag:s10] =	ssyncset.done $0x0;
	s22 =	sadd.s32 @!p2 $0xFFFFFE00, s16;
	s23 =	simm.s32 @!p2 $0x0  }
.Ltmp3:
0x31: {  	s24 =	simm.s32 @!p2 $0x18700;
	[sflag:s10] =	ssyncadd.s32 $0xFFFFF000;
	(pc) =	sbr.rel @!p3 .LBB2_4-.Ltmp3, $4  }
0x32: {  	[tilespmem:s24], [sflag:$0x1] =	stream.linear.gather @!p2 [hbm4b:s22+s23], $0x1000, $0x38;
	[tilespmem:$0x1B700] =	vst v63  }
0x33: {  	p2 =	sge.s32 s17, s6;
	s22 =	sadd.s32 $0x2, s17  }
0x34: {  	s23 =	smov.u32 s16;
	s24 =	smov.u32 s16;
	_ =	swait.ge [sflag:s21], $0x1000  }
0x35: {  	s25 =	simm.s32 @!p2 $0x0;
	s26 =	simm.s32 @!p2 $0x19700;
	[sflag:s21] =	ssyncset.done $0x0  }
.LBB2_3:
0x36: {  	s1 =	sadd.s32 $0xFFFFFFFF, s1;
	[sflag:s21] =	ssyncadd.s32 $0xFFFFF000;
	s23 =	sadd.s32 $0x400, s23  }
0x37: {  	[tilespmem:s26], [sflag:$0x2] =	stream.linear.gather @!p2 [hbm4b:s24+s25], $0x1000, $0x38;
	[tilespmem:$0x1B700] =	vst v63  }
0x38: {  	p3 =	sne.s32 s1, $0x0;
	s24 =	smov.u32 s23;
	s25 =	sadd.s32 $0xFFFFFFFF, s22  }
0x39: {  	p2 =	sge.s32 s25, s6;
	_ =	swait.ge [sflag:s10], $0x1000  }
0x3a: {  	s25 =	sadd.s32 @!p2 $0xFFFFFE00, s23;
	[sflag:s10] =	ssyncset.done $0x0  }
.Ltmp4:
0x3b: {  	s26 =	simm.s32 @!p2 $0x0;
	s28 =	simm.s32 @!p2 $0x18700;
	(pc) =	sbr.rel @p3 .LBB2_3-.Ltmp4, $4  }
0x3c: {  	[sflag:s10] =	ssyncadd.s32 $0xFFFFF000  }
0x3d: {  	[tilespmem:s28], [sflag:$0x1] =	stream.linear.gather @!p2 [hbm4b:s25+s26], $0x1000, $0x38;
	[tilespmem:$0x1B700] =	vst v63  }
0x3e: {  	p2 =	sge.s32 s22, s6;
	s22 =	sadd.s32 $0x2, s22;
	_ =	swait.ge [sflag:s21], $0x1000  }
0x3f: {  	s25 =	simm.s32 @!p2 $0x0;
	s26 =	simm.s32 @!p2 $0x19700;
	[sflag:s21] =	ssyncset.done $0x0  }
.LBB2_4:
0x40: {  	[sflag:s21] =	ssyncadd.s32 $0xFFFFF000  }
0x41: {  	[tilespmem:s26], [sflag:$0x2] =	stream.linear.gather @!p2 [hbm4b:s24+s25], $0x1000, $0x38;
	[tilespmem:$0x1B700] =	vst v63  }
.LBB2_5:
0x42: {  	s1 =	simm.s32 @!p1 $0x1  }
0x43: {  	_ =	swait.ge @!p1 [sflag:s1], $0x1000  }
0x44: {  	[sflag:s1] =	ssyncset.done @!p1 $0x0  }
0x45: {  	[sflag:s1] =	ssyncadd.s32 @!p1 $0xFFFFF000;
	s1 =	simm.s32 $0x40  }
0x46: {  	[tilespmem:s1+$0xFFFFFFC0] =	vst v0  }
0x47: {  	[tilespmem:s1+$0x30] =	vst v0  }
0x48: {  	[tilespmem:s1+$0x20] =	vst v0  }
0x49: {  	[tilespmem:s1+$0x10] =	vst v0  }
0x4a: {  	[tilespmem:s1+$0x0] =	vst v0  }
0x4b: {  	[tilespmem:s1+$0xFFFFFFF0] =	vst v0  }
0x4c: {  	s24 =	simm.s32 $0x0;
	s22 =	simm.s32 $0x18680;
	[tilespmem:s1+$0xFFFFFFE0] =	vst v0  }
.LBB2_6:
0x4d: {  	s24 =	sadd.s32 $0x80, s24;
	[tilespmem:s1+$0xFFFFFFD0] =	vst v0;
	s1 =	sadd.s32 $0x80, s1;
	s23 =	simm.s32 $0x18670  }
0x4e: {  	[tilespmem:s1+$0xFFFFFFC0] =	vst v0;
	p2 =	slt.u32 s24, $0x18600  }
0x4f: {  	[tilespmem:s1+$0x30] =	vst v0  }
.Ltmp5:
0x50: {  	[tilespmem:s1+$0x20] =	vst v0;
	(pc) =	sbr.rel @p2 .LBB2_6-.Ltmp5, $4  }
0x51: {  	[tilespmem:s1+$0x10] =	vst v0  }
0x52: {  	[tilespmem:s1+$0x0] =	vst v0  }
0x53: {  	[tilespmem:s1+$0xFFFFFFF0] =	vst v0  }
0x54: {  	[tilespmem:s1+$0xFFFFFFE0] =	vst v0  }
0x55: {  	[tilespmem:s1+$0xFFFFFFD0] =	vst v0  }
.LBB2_8:
0x56: {  	s23 =	sadd.s32 $0x10, s23  }
0x57: {  	p2 =	slt.u32 s23, $0x18690  }
.Ltmp6:
0x58: {  	_ = 	snop;
	(pc) =	sbr.rel @p2 .LBB2_8-.Ltmp6, $2  }
0x59: {  	_ =	sdelay $0x2  }
0x5a: {  	[tilespmem:s22+$0x0] =	vst v0;
	s22 =	sadd.s32 $0x10, s22  }
0x5b: {  	s1 =	simm.s32 $0x0;
	s22 =	simm.s32 $0x1A700  }
0x5c: {  	[tilespmem:s22], [sflag:$0x1] =	stream.linear.gather [hbm4b:s12+s1], $0x800, $0x38;
	[tilespmem:$0x1B700] =	vst v63  }
0x5d: {  	_ = 	snop  }
0x5e: {  	[tilespmem:s19], [sflag:$0x1] =	stream.linear.gather [hbm4b:s8+s1], $0x80, $0x38;
	[tilespmem:$0x1B700] =	vst v63  }
0x5f: {  	s28 =	sadd.s32 $0x20, s8;
	s23 =	simm.s32 $0x18800  }
0x60: {  	[tilespmem:s23], [sflag:$0x1] =	stream.linear.gather [hbm4b:s28+s1], $0x80, $0x38;
	[tilespmem:$0x1B700] =	vst v63  }
0x61: {  	s24 =	sadd.s32 $0x40, s8;
	s25 =	simm.s32 $0x18900  }
0x62: {  	[tilespmem:s25], [sflag:$0x1] =	stream.linear.gather [hbm4b:s24+s1], $0x80, $0x38;
	[tilespmem:$0x1B700] =	vst v63  }
0x63: {  	s26 =	sadd.s32 $0x60, s8;
	s28 =	simm.s32 $0x18A00  }
0x64: {  	[tilespmem:s28], [sflag:$0x1] =	stream.linear.gather [hbm4b:s26+s1], $0x80, $0x38;
	[tilespmem:$0x1B700] =	vst v63  }
0x65: {  	s24 =	sadd.s32 $0x80, s8;
	s25 =	simm.s32 $0x18B00  }
0x66: {  	[tilespmem:s25], [sflag:$0x1] =	stream.linear.gather [hbm4b:s24+s1], $0x80, $0x38;
	[tilespmem:$0x1B700] =	vst v63  }
0x67: {  	s26 =	sadd.s32 $0xA0, s8;
	s28 =	simm.s32 $0x18C00  }
0x68: {  	[tilespmem:s28], [sflag:$0x1] =	stream.linear.gather [hbm4b:s26+s1], $0x80, $0x38;
	[tilespmem:$0x1B700] =	vst v63  }
0x69: {  	s24 =	sadd.s32 $0xC0, s8;
	s25 =	simm.s32 $0x18D00  }
0x6a: {  	[tilespmem:s25], [sflag:$0x1] =	stream.linear.gather [hbm4b:s24+s1], $0x80, $0x38;
	[tilespmem:$0x1B700] =	vst v63  }
0x6b: {  	s26 =	sadd.s32 $0xE0, s8;
	s28 =	simm.s32 $0x18E00  }
0x6c: {  	[tilespmem:s28], [sflag:$0x1] =	stream.linear.gather [hbm4b:s26+s1], $0x80, $0x38;
	[tilespmem:$0x1B700] =	vst v63  }
0x6d: {  	s24 =	sadd.s32 $0x100, s8;
	s25 =	simm.s32 $0x18F00  }
0x6e: {  	[tilespmem:s25], [sflag:$0x1] =	stream.linear.gather [hbm4b:s24+s1], $0x80, $0x38;
	[tilespmem:$0x1B700] =	vst v63  }
0x6f: {  	s26 =	sadd.s32 $0x120, s8;
	s28 =	simm.s32 $0x19000  }
0x70: {  	[tilespmem:s28], [sflag:$0x1] =	stream.linear.gather [hbm4b:s26+s1], $0x80, $0x38;
	[tilespmem:$0x1B700] =	vst v63  }
0x71: {  	s24 =	sadd.s32 $0x140, s8;
	s25 =	simm.s32 $0x19100  }
0x72: {  	[tilespmem:s25], [sflag:$0x1] =	stream.linear.gather [hbm4b:s24+s1], $0x80, $0x38;
	[tilespmem:$0x1B700] =	vst v63  }
0x73: {  	s26 =	sadd.s32 $0x160, s8;
	s28 =	simm.s32 $0x19200  }
0x74: {  	[tilespmem:s28], [sflag:$0x1] =	stream.linear.gather [hbm4b:s26+s1], $0x80, $0x38;
	[tilespmem:$0x1B700] =	vst v63  }
0x75: {  	s24 =	sadd.s32 $0x180, s8;
	s25 =	simm.s32 $0x19300  }
0x76: {  	[tilespmem:s25], [sflag:$0x1] =	stream.linear.gather [hbm4b:s24+s1], $0x80, $0x38;
	[tilespmem:$0x1B700] =	vst v63  }
0x77: {  	s26 =	sadd.s32 $0x1A0, s8;
	s28 =	simm.s32 $0x19400  }
0x78: {  	[tilespmem:s28], [sflag:$0x1] =	stream.linear.gather [hbm4b:s26+s1], $0x80, $0x38;
	[tilespmem:$0x1B700] =	vst v63  }
0x79: {  	s24 =	sadd.s32 $0x1C0, s8;
	s25 =	simm.s32 $0x19500  }
0x7a: {  	[tilespmem:s25], [sflag:$0x1] =	stream.linear.gather [hbm4b:s24+s1], $0x80, $0x38;
	[tilespmem:$0x1B700] =	vst v63  }
0x7b: {  	s26 =	sadd.s32 $0x1E0, s8;
	s28 =	simm.s32 $0x19600  }
0x7c: {  	[tilespmem:s28], [sflag:$0x1] =	stream.linear.gather [hbm4b:s26+s1], $0x80, $0x38;
	[tilespmem:$0x1B700] =	vst v63  }
0x7d: {  	s23 =	simm.s32 $0x1AF00  }
0x7e: {  	[tilespmem:s23], [sflag:$0x2] =	stream.linear.gather [hbm4b:s13+s1], $0x800, $0x38;
	[tilespmem:$0x1B700] =	vst v63  }
0x7f: {  	_ = 	snop  }
0x80: {  	[tilespmem:s20], [sflag:$0x2] =	stream.linear.gather [hbm4b:s9+s1], $0x80, $0x38;
	[tilespmem:$0x1B700] =	vst v63  }
0x81: {  	s24 =	sadd.s32 $0x20, s9;
	s25 =	simm.s32 $0x19800  }
0x82: {  	[tilespmem:s25], [sflag:$0x2] =	stream.linear.gather [hbm4b:s24+s1], $0x80, $0x38;
	[tilespmem:$0x1B700] =	vst v63  }
0x83: {  	s26 =	sadd.s32 $0x40, s9;
	s28 =	simm.s32 $0x19900  }
0x84: {  	[tilespmem:s28], [sflag:$0x2] =	stream.linear.gather [hbm4b:s26+s1], $0x80, $0x38;
	[tilespmem:$0x1B700] =	vst v63  }
0x85: {  	s24 =	sadd.s32 $0x60, s9;
	s25 =	simm.s32 $0x19A00  }
0x86: {  	[tilespmem:s25], [sflag:$0x2] =	stream.linear.gather [hbm4b:s24+s1], $0x80, $0x38;
	[tilespmem:$0x1B700] =	vst v63  }
0x87: {  	s26 =	sadd.s32 $0x80, s9;
	s28 =	simm.s32 $0x19B00  }
0x88: {  	[tilespmem:s28], [sflag:$0x2] =	stream.linear.gather [hbm4b:s26+s1], $0x80, $0x38;
	[tilespmem:$0x1B700] =	vst v63  }
0x89: {  	s24 =	sadd.s32 $0xA0, s9;
	s25 =	simm.s32 $0x19C00  }
0x8a: {  	[tilespmem:s25], [sflag:$0x2] =	stream.linear.gather [hbm4b:s24+s1], $0x80, $0x38;
	[tilespmem:$0x1B700] =	vst v63  }
0x8b: {  	s26 =	sadd.s32 $0xC0, s9;
	s28 =	simm.s32 $0x19D00  }
0x8c: {  	[tilespmem:s28], [sflag:$0x2] =	stream.linear.gather [hbm4b:s26+s1], $0x80, $0x38;
	[tilespmem:$0x1B700] =	vst v63  }
0x8d: {  	s24 =	sadd.s32 $0xE0, s9;
	s25 =	simm.s32 $0x19E00  }
0x8e: {  	[tilespmem:s25], [sflag:$0x2] =	stream.linear.gather [hbm4b:s24+s1], $0x80, $0x38;
	[tilespmem:$0x1B700] =	vst v63  }
0x8f: {  	s26 =	sadd.s32 $0x100, s9;
	s28 =	simm.s32 $0x19F00  }
0x90: {  	[tilespmem:s28], [sflag:$0x2] =	stream.linear.gather [hbm4b:s26+s1], $0x80, $0x38;
	[tilespmem:$0x1B700] =	vst v63  }
0x91: {  	s24 =	sadd.s32 $0x120, s9;
	s25 =	simm.s32 $0x1A000  }
0x92: {  	[tilespmem:s25], [sflag:$0x2] =	stream.linear.gather [hbm4b:s24+s1], $0x80, $0x38;
	[tilespmem:$0x1B700] =	vst v63  }
0x93: {  	s26 =	sadd.s32 $0x140, s9;
	s28 =	simm.s32 $0x1A100  }
0x94: {  	[tilespmem:s28], [sflag:$0x2] =	stream.linear.gather [hbm4b:s26+s1], $0x80, $0x38;
	[tilespmem:$0x1B700] =	vst v63  }
0x95: {  	s24 =	sadd.s32 $0x160, s9;
	s25 =	simm.s32 $0x1A200  }
0x96: {  	[tilespmem:s25], [sflag:$0x2] =	stream.linear.gather [hbm4b:s24+s1], $0x80, $0x38;
	[tilespmem:$0x1B700] =	vst v63  }
0x97: {  	s26 =	sadd.s32 $0x180, s9;
	s28 =	simm.s32 $0x1A300  }
0x98: {  	[tilespmem:s28], [sflag:$0x2] =	stream.linear.gather [hbm4b:s26+s1], $0x80, $0x38;
	[tilespmem:$0x1B700] =	vst v63  }
0x99: {  	s24 =	sadd.s32 $0x1A0, s9;
	s25 =	simm.s32 $0x1A400  }
0x9a: {  	[tilespmem:s25], [sflag:$0x2] =	stream.linear.gather [hbm4b:s24+s1], $0x80, $0x38;
	[tilespmem:$0x1B700] =	vst v63  }
.Ltmp7:
0x9b: {  	_ = 	snop;
	(pc) =	sbr.rel @p0 .LBB2_15-.Ltmp7, $4  }
0x9c: {  	s26 =	sadd.s32 $0x1C0, s9  }
0x9d: {  	[tilespmem:s29], [sflag:$0x2] =	stream.linear.gather [hbm4b:s26+s1], $0x80, $0x38;
	[tilespmem:$0x1B700] =	vst v63  }
0x9e: {  	s28 =	sadd.s32 $0x1E0, s9  }
0x9f: {  	[tilespmem:s30], [sflag:$0x2] =	stream.linear.gather [hbm4b:s28+s1], $0x80, $0x38;
	[tilespmem:$0x1B700] =	vst v63  }
.LBB2_10:
0xa0: {  	_ =	swait.ge [sflag:s10], $0x800  }
0xa1: {  	[sflag:s10] =	ssyncset.done $0x0  }
0xa2: {  	[sflag:s10] =	ssyncadd.s32 $0xFFFFF800  }
0xa3: {  	_ =	swait.ge [sflag:s10], $0x800  }
0xa4: {  	[sflag:s10] =	ssyncset.done $0x0  }
0xa5: {  	s23 =	simm.s32 $0x18740;
	[sflag:s10] =	ssyncadd.s32 $0xFFFFF800  }
0xa6: {  	v1 =	vld [tilespmem:s23+$0x30]  }
0xa7: {  	v2 =	vld [tilespmem:s23+$0xFFFFFFD0]  }
0xa8: {  	s22 =	simm.s32 $0x1A740;
	v3 =	vld [tilespmem:s23+$0xFFFFFFE0]  }
0xa9: {  	v4 =	vld [tilespmem:s22+$0x30]  }
0xaa: {  	v5 =	vld [tilespmem:s23+$0xFFFFFFF0]  }
0xab: {  	v6 =	vld [tilespmem:s23+$0x0]  }
0xac: {  	v7 =	vld [tilespmem:s23+$0x10]  }
0xad: {  	v8 =	vld [tilespmem:s23+$0x20]  }
0xae: {  	v63 =	vld [tilespmem:s22+$0xFFFFFFC0]  }
0xaf: {  	v9 =	vld [tilespmem:s22+$0xFFFFFFD0]  }
0xb0: {  	v10 =	vld [tilespmem:s22+$0xFFFFFFE0]  }
0xb1: {  	v11 =	vld [tilespmem:s22+$0xFFFFFFF0]  }
0xb2: {  	v12 =	vld [tilespmem:s22+$0x0]  }
0xb3: {  	v13 =	vld [tilespmem:s22+$0x10]  }
0xb4: {  	[tilespmem:v1+s4+$0x0] =	vst.idx.add.f32.msk $0xffff, v4  }
0xb5: {  	v1 =	vld [tilespmem:s23+$0xFFFFFFC0]  }
0xb6: {  	v14 =	vld [tilespmem:s22+$0x20]  }
0xb7: {  	[tilespmem:v2+s4+$0x0] =	vst.idx.add.f32.msk $0xffff, v9  }
0xb8: {  	[tilespmem:v3+s4+$0x0] =	vst.idx.add.f32.msk $0xffff, v10  }
0xb9: {  	[tilespmem:v5+s4+$0x0] =	vst.idx.add.f32.msk $0xffff, v11  }
0xba: {  	[tilespmem:v6+s4+$0x0] =	vst.idx.add.f32.msk $0xffff, v12  }
0xbb: {  	[tilespmem:v7+s4+$0x0] =	vst.idx.add.f32.msk $0xffff, v13  }
0xbc: {  	[tilespmem:v8+s4+$0x0] =	vst.idx.add.f32.msk $0xffff, v14  }
0xbd: {  	s24 =	simm.s32 $0x18840;
	s23 =	simm.s32 $0x0;
	[tilespmem:v1+s4+$0x0] =	vst.idx.add.f32.msk $0xffff, v63  }
.LBB2_11:
0xbe: {  	v1 =	vld [tilespmem:s24+$0x30];
	s23 =	sadd.s32 $0x80, s23  }
0xbf: {  	v2 =	vld [tilespmem:s24+$0xFFFFFFD0];
	p2 =	slt.u32 s23, $0x780  }
0xc0: {  	s22 =	sadd.s32 $0x80, s22;
	v3 =	vld [tilespmem:s24+$0xFFFFFFE0]  }
0xc1: {  	v4 =	vld [tilespmem:s22+$0x30]  }
0xc2: {  	v5 =	vld [tilespmem:s24+$0xFFFFFFF0]  }
0xc3: {  	v6 =	vld [tilespmem:s24+$0x0]  }
0xc4: {  	v7 =	vld [tilespmem:s24+$0x10]  }
0xc5: {  	v8 =	vld [tilespmem:s24+$0x20]  }
0xc6: {  	[tilespmem:v1+s4+$0x0] =	vst.idx.add.f32.msk $0xffff, v4  }
0xc7: {  	v1 =	vld [tilespmem:s24+$0xFFFFFFC0]  }
0xc8: {  	v4 =	vld [tilespmem:s22+$0xFFFFFFC0]  }
0xc9: {  	v9 =	vld [tilespmem:s22+$0xFFFFFFD0]  }
0xca: {  	v10 =	vld [tilespmem:s22+$0xFFFFFFE0]  }
0xcb: {  	v11 =	vld [tilespmem:s22+$0xFFFFFFF0]  }
0xcc: {  	v12 =	vld [tilespmem:s22+$0x0]  }
0xcd: {  	v13 =	vld [tilespmem:s22+$0x10]  }
0xce: {  	v14 =	vld [tilespmem:s22+$0x20]  }
0xcf: {  	[tilespmem:v1+s4+$0x0] =	vst.idx.add.f32.msk $0xffff, v4  }
0xd0: {  	[tilespmem:v2+s4+$0x0] =	vst.idx.add.f32.msk $0xffff, v9  }
.Ltmp8:
0xd1: {  	[tilespmem:v3+s4+$0x0] =	vst.idx.add.f32.msk $0xffff, v10;
	(pc) =	sbr.rel @p2 .LBB2_11-.Ltmp8, $4  }
0xd2: {  	[tilespmem:v5+s4+$0x0] =	vst.idx.add.f32.msk $0xffff, v11  }
0xd3: {  	[tilespmem:v6+s4+$0x0] =	vst.idx.add.f32.msk $0xffff, v12  }
0xd4: {  	[tilespmem:v7+s4+$0x0] =	vst.idx.add.f32.msk $0xffff, v13  }
0xd5: {  	s24 =	sadd.s32 $0x100, s24;
	[tilespmem:v8+s4+$0x0] =	vst.idx.add.f32.msk $0xffff, v14  }
0xd6: {  	s22 =	sshll.u32 s1, $0x1  }
0xd7: {  	s22 =	sadd.s32 s5, s22  }
0xd8: {  	s23 =	sadd.s32 $0x2, s22  }
0xd9: {  	p2 =	sge.s32 s23, s6  }
0xda: {  	s24 =	sshll.u32 @!p2 s23, $0x8  }
0xdb: {  	s25 =	simm.s32 @!p2 $0x0;
	s23 =	sshll.u32 @!p2 s23, $0x9;
	s24 =	sand.u32 @!p2 $0x1FFFFF00, s24  }
0xdc: {  	s26 =	simm.s32 @!p2 $0x1A700;
	s23 =	sand.u32 @!p2 $0x1FFFFE00, s23;
	s24 =	sadd.s32 @!p2 s7, s24  }
0xdd: {  	[tilespmem:s26], [sflag:$0x1] =	stream.linear.gather @!p2 [hbm4b:s24+s25], $0x800, $0x38;
	[tilespmem:$0x1B700] =	vst v63  }
0xde: {  	s23 =	sadd.s32 @!p2 s3, s23;
	s24 =	simm.s32 @!p2 $0x18700  }
0xdf: {  	[tilespmem:s24], [sflag:$0x1] =	stream.linear.gather @!p2 [hbm4b:s23+s25], $0x80, $0x38;
	[tilespmem:$0x1B700] =	vst v63  }
0xe0: {  	s26 =	simm.s32 @!p2 $0x18800;
	s24 =	sadd.s32 @!p2 $0x20, s23  }
0xe1: {  	[tilespmem:s26], [sflag:$0x1] =	stream.linear.gather @!p2 [hbm4b:s24+s25], $0x80, $0x38;
	[tilespmem:$0x1B700] =	vst v63  }
0xe2: {  	s24 =	sadd.s32 @!p2 $0x40, s23;
	s26 =	simm.s32 @!p2 $0x18900  }
0xe3: {  	[tilespmem:s26], [sflag:$0x1] =	stream.linear.gather @!p2 [hbm4b:s24+s25], $0x80, $0x38;
	[tilespmem:$0x1B700] =	vst v63  }
0xe4: {  	s24 =	sadd.s32 @!p2 $0x60, s23;
	s26 =	simm.s32 @!p2 $0x18A00  }
0xe5: {  	[tilespmem:s26], [sflag:$0x1] =	stream.linear.gather @!p2 [hbm4b:s24+s25], $0x80, $0x38;
	[tilespmem:$0x1B700] =	vst v63  }
0xe6: {  	s24 =	sadd.s32 @!p2 $0x80, s23;
	s26 =	simm.s32 @!p2 $0x18B00  }
0xe7: {  	[tilespmem:s26], [sflag:$0x1] =	stream.linear.gather @!p2 [hbm4b:s24+s25], $0x80, $0x38;
	[tilespmem:$0x1B700] =	vst v63  }
0xe8: {  	s24 =	sadd.s32 @!p2 $0xA0, s23;
	s26 =	simm.s32 @!p2 $0x18C00  }
0xe9: {  	[tilespmem:s26], [sflag:$0x1] =	stream.linear.gather @!p2 [hbm4b:s24+s25], $0x80, $0x38;
	[tilespmem:$0x1B700] =	vst v63  }
0xea: {  	s24 =	sadd.s32 @!p2 $0xC0, s23;
	s26 =	simm.s32 @!p2 $0x18D00  }
0xeb: {  	[tilespmem:s26], [sflag:$0x1] =	stream.linear.gather @!p2 [hbm4b:s24+s25], $0x80, $0x38;
	[tilespmem:$0x1B700] =	vst v63  }
0xec: {  	s24 =	sadd.s32 @!p2 $0xE0, s23;
	s26 =	simm.s32 @!p2 $0x18E00  }
0xed: {  	[tilespmem:s26], [sflag:$0x1] =	stream.linear.gather @!p2 [hbm4b:s24+s25], $0x80, $0x38;
	[tilespmem:$0x1B700] =	vst v63  }
0xee: {  	s24 =	sadd.s32 @!p2 $0x100, s23;
	s26 =	simm.s32 @!p2 $0x18F00  }
0xef: {  	[tilespmem:s26], [sflag:$0x1] =	stream.linear.gather @!p2 [hbm4b:s24+s25], $0x80, $0x38;
	[tilespmem:$0x1B700] =	vst v63  }
0xf0: {  	s24 =	sadd.s32 @!p2 $0x120, s23;
	s26 =	simm.s32 @!p2 $0x19000  }
0xf1: {  	[tilespmem:s26], [sflag:$0x1] =	stream.linear.gather @!p2 [hbm4b:s24+s25], $0x80, $0x38;
	[tilespmem:$0x1B700] =	vst v63  }
0xf2: {  	s24 =	sadd.s32 @!p2 $0x140, s23;
	s26 =	simm.s32 @!p2 $0x19100  }
0xf3: {  	[tilespmem:s26], [sflag:$0x1] =	stream.linear.gather @!p2 [hbm4b:s24+s25], $0x80, $0x38;
	[tilespmem:$0x1B700] =	vst v63  }
0xf4: {  	s24 =	sadd.s32 @!p2 $0x160, s23;
	s26 =	simm.s32 @!p2 $0x19200  }
0xf5: {  	[tilespmem:s26], [sflag:$0x1] =	stream.linear.gather @!p2 [hbm4b:s24+s25], $0x80, $0x38;
	[tilespmem:$0x1B700] =	vst v63  }
0xf6: {  	s24 =	sadd.s32 @!p2 $0x180, s23;
	s26 =	simm.s32 @!p2 $0x19300  }
0xf7: {  	[tilespmem:s26], [sflag:$0x1] =	stream.linear.gather @!p2 [hbm4b:s24+s25], $0x80, $0x38;
	[tilespmem:$0x1B700] =	vst v63  }
0xf8: {  	s24 =	sadd.s32 @!p2 $0x1A0, s23;
	s26 =	simm.s32 @!p2 $0x19400  }
0xf9: {  	[tilespmem:s26], [sflag:$0x1] =	stream.linear.gather @!p2 [hbm4b:s24+s25], $0x80, $0x38;
	[tilespmem:$0x1B700] =	vst v63  }
0xfa: {  	s24 =	sadd.s32 @!p2 $0x1C0, s23;
	s26 =	simm.s32 @!p2 $0x19500  }
0xfb: {  	[tilespmem:s26], [sflag:$0x1] =	stream.linear.gather @!p2 [hbm4b:s24+s25], $0x80, $0x38;
	[tilespmem:$0x1B700] =	vst v63  }
0xfc: {  	s23 =	sadd.s32 @!p2 $0x1E0, s23;
	s24 =	simm.s32 @!p2 $0x19600  }
0xfd: {  	[tilespmem:s24], [sflag:$0x1] =	stream.linear.gather @!p2 [hbm4b:s23+s25], $0x80, $0x38;
	[tilespmem:$0x1B700] =	vst v63  }
0xfe: {  	_ =	swait.ge [sflag:s21], $0x800  }
0xff: {  	[sflag:s21] =	ssyncset.done $0x0  }
0x100: {  	[sflag:s21] =	ssyncadd.s32 $0xFFFFF800  }
0x101: {  	_ =	swait.ge [sflag:s21], $0x800  }
0x102: {  	[sflag:s21] =	ssyncset.done $0x0  }
0x103: {  	s28 =	simm.s32 $0x19740;
	[sflag:s21] =	ssyncadd.s32 $0xFFFFF800  }
0x104: {  	v1 =	vld [tilespmem:s28+$0x30]  }
0x105: {  	v2 =	vld [tilespmem:s28+$0xFFFFFFD0]  }
0x106: {  	s23 =	simm.s32 $0x1AF40;
	v3 =	vld [tilespmem:s28+$0xFFFFFFE0]  }
0x107: {  	v4 =	vld [tilespmem:s23+$0x30]  }
0x108: {  	v5 =	vld [tilespmem:s28+$0xFFFFFFF0]  }
0x109: {  	v6 =	vld [tilespmem:s28+$0x0]  }
0x10a: {  	v7 =	vld [tilespmem:s28+$0x10]  }
0x10b: {  	v8 =	vld [tilespmem:s28+$0x20]  }
0x10c: {  	v63 =	vld [tilespmem:s23+$0xFFFFFFC0]  }
0x10d: {  	v9 =	vld [tilespmem:s23+$0xFFFFFFD0]  }
0x10e: {  	v10 =	vld [tilespmem:s23+$0xFFFFFFE0]  }
0x10f: {  	v11 =	vld [tilespmem:s23+$0xFFFFFFF0]  }
0x110: {  	v12 =	vld [tilespmem:s23+$0x0]  }
0x111: {  	v13 =	vld [tilespmem:s23+$0x10]  }
0x112: {  	[tilespmem:v1+s4+$0x0] =	vst.idx.add.f32.msk $0xffff, v4  }
0x113: {  	v1 =	vld [tilespmem:s28+$0xFFFFFFC0]  }
0x114: {  	v14 =	vld [tilespmem:s23+$0x20]  }
0x115: {  	[tilespmem:v2+s4+$0x0] =	vst.idx.add.f32.msk $0xffff, v9  }
0x116: {  	[tilespmem:v3+s4+$0x0] =	vst.idx.add.f32.msk $0xffff, v10  }
0x117: {  	[tilespmem:v5+s4+$0x0] =	vst.idx.add.f32.msk $0xffff, v11  }
0x118: {  	[tilespmem:v6+s4+$0x0] =	vst.idx.add.f32.msk $0xffff, v12  }
0x119: {  	[tilespmem:v7+s4+$0x0] =	vst.idx.add.f32.msk $0xffff, v13  }
0x11a: {  	[tilespmem:v8+s4+$0x0] =	vst.idx.add.f32.msk $0xffff, v14  }
0x11b: {  	s24 =	simm.s32 $0x0;
	s25 =	simm.s32 $0x19840;
	[tilespmem:v1+s4+$0x0] =	vst.idx.add.f32.msk $0xffff, v63  }
.LBB2_13:
0x11c: {  	v1 =	vld [tilespmem:s25+$0x30];
	s24 =	sadd.s32 $0x80, s24  }
0x11d: {  	v2 =	vld [tilespmem:s25+$0xFFFFFFD0];
	p2 =	slt.u32 s24, $0x780  }
0x11e: {  	s23 =	sadd.s32 $0x80, s23;
	v3 =	vld [tilespmem:s25+$0xFFFFFFE0]  }
0x11f: {  	v4 =	vld [tilespmem:s23+$0x30]  }
0x120: {  	v5 =	vld [tilespmem:s25+$0xFFFFFFF0]  }
0x121: {  	v6 =	vld [tilespmem:s25+$0x0]  }
0x122: {  	v7 =	vld [tilespmem:s25+$0x10]  }
0x123: {  	v8 =	vld [tilespmem:s25+$0x20]  }
0x124: {  	[tilespmem:v1+s4+$0x0] =	vst.idx.add.f32.msk $0xffff, v4  }
0x125: {  	v1 =	vld [tilespmem:s25+$0xFFFFFFC0]  }
0x126: {  	v4 =	vld [tilespmem:s23+$0xFFFFFFC0]  }
0x127: {  	v9 =	vld [tilespmem:s23+$0xFFFFFFD0]  }
0x128: {  	v10 =	vld [tilespmem:s23+$0xFFFFFFE0]  }
0x129: {  	v11 =	vld [tilespmem:s23+$0xFFFFFFF0]  }
0x12a: {  	v12 =	vld [tilespmem:s23+$0x0]  }
0x12b: {  	v13 =	vld [tilespmem:s23+$0x10]  }
0x12c: {  	v14 =	vld [tilespmem:s23+$0x20]  }
0x12d: {  	[tilespmem:v1+s4+$0x0] =	vst.idx.add.f32.msk $0xffff, v4  }
0x12e: {  	[tilespmem:v2+s4+$0x0] =	vst.idx.add.f32.msk $0xffff, v9  }
.Ltmp9:
0x12f: {  	[tilespmem:v3+s4+$0x0] =	vst.idx.add.f32.msk $0xffff, v10;
	(pc) =	sbr.rel @p2 .LBB2_13-.Ltmp9, $4  }
0x130: {  	[tilespmem:v5+s4+$0x0] =	vst.idx.add.f32.msk $0xffff, v11  }
0x131: {  	[tilespmem:v6+s4+$0x0] =	vst.idx.add.f32.msk $0xffff, v12  }
0x132: {  	[tilespmem:v7+s4+$0x0] =	vst.idx.add.f32.msk $0xffff, v13  }
0x133: {  	s25 =	sadd.s32 $0x100, s25;
	[tilespmem:v8+s4+$0x0] =	vst.idx.add.f32.msk $0xffff, v14  }
0x134: {  	s22 =	sadd.s32 $0x3, s22  }
0x135: {  	p2 =	sge.s32 s22, s6  }
0x136: {  	s23 =	sshll.u32 @!p2 s22, $0x8  }
0x137: {  	s24 =	simm.s32 @!p2 $0x0;
	s22 =	sshll.u32 @!p2 s22, $0x9;
	s23 =	sand.u32 @!p2 $0x1FFFFF00, s23  }
0x138: {  	s25 =	simm.s32 @!p2 $0x1AF00;
	s22 =	sand.u32 @!p2 $0x1FFFFE00, s22;
	s23 =	sadd.s32 @!p2 s7, s23  }
0x139: {  	[tilespmem:s25], [sflag:$0x2] =	stream.linear.gather @!p2 [hbm4b:s23+s24], $0x800, $0x38;
	[tilespmem:$0x1B700] =	vst v63  }
0x13a: {  	s22 =	sadd.s32 @!p2 s3, s22;
	s23 =	simm.s32 @!p2 $0x19700  }
0x13b: {  	[tilespmem:s23], [sflag:$0x2] =	stream.linear.gather @!p2 [hbm4b:s22+s24], $0x80, $0x38;
	[tilespmem:$0x1B700] =	vst v63  }
0x13c: {  	s25 =	simm.s32 @!p2 $0x19800;
	s23 =	sadd.s32 @!p2 $0x20, s22  }
0x13d: {  	[tilespmem:s25], [sflag:$0x2] =	stream.linear.gather @!p2 [hbm4b:s23+s24], $0x80, $0x38;
	[tilespmem:$0x1B700] =	vst v63  }
0x13e: {  	s23 =	sadd.s32 @!p2 $0x40, s22;
	s25 =	simm.s32 @!p2 $0x19900  }
0x13f: {  	[tilespmem:s25], [sflag:$0x2] =	stream.linear.gather @!p2 [hbm4b:s23+s24], $0x80, $0x38;
	[tilespmem:$0x1B700] =	vst v63  }
0x140: {  	s23 =	sadd.s32 @!p2 $0x60, s22;
	s25 =	simm.s32 @!p2 $0x19A00  }
0x141: {  	[tilespmem:s25], [sflag:$0x2] =	stream.linear.gather @!p2 [hbm4b:s23+s24], $0x80, $0x38;
	[tilespmem:$0x1B700] =	vst v63  }
0x142: {  	s23 =	sadd.s32 @!p2 $0x80, s22;
	s25 =	simm.s32 @!p2 $0x19B00  }
0x143: {  	[tilespmem:s25], [sflag:$0x2] =	stream.linear.gather @!p2 [hbm4b:s23+s24], $0x80, $0x38;
	[tilespmem:$0x1B700] =	vst v63  }
0x144: {  	s23 =	sadd.s32 @!p2 $0xA0, s22;
	s25 =	simm.s32 @!p2 $0x19C00  }
0x145: {  	[tilespmem:s25], [sflag:$0x2] =	stream.linear.gather @!p2 [hbm4b:s23+s24], $0x80, $0x38;
	[tilespmem:$0x1B700] =	vst v63  }
0x146: {  	s23 =	sadd.s32 @!p2 $0xC0, s22;
	s25 =	simm.s32 @!p2 $0x19D00  }
0x147: {  	[tilespmem:s25], [sflag:$0x2] =	stream.linear.gather @!p2 [hbm4b:s23+s24], $0x80, $0x38;
	[tilespmem:$0x1B700] =	vst v63  }
0x148: {  	s23 =	sadd.s32 @!p2 $0xE0, s22;
	s25 =	simm.s32 @!p2 $0x19E00  }
0x149: {  	[tilespmem:s25], [sflag:$0x2] =	stream.linear.gather @!p2 [hbm4b:s23+s24], $0x80, $0x38;
	[tilespmem:$0x1B700] =	vst v63  }
0x14a: {  	s23 =	sadd.s32 @!p2 $0x100, s22;
	s25 =	simm.s32 @!p2 $0x19F00  }
0x14b: {  	[tilespmem:s25], [sflag:$0x2] =	stream.linear.gather @!p2 [hbm4b:s23+s24], $0x80, $0x38;
	[tilespmem:$0x1B700] =	vst v63  }
0x14c: {  	s23 =	sadd.s32 @!p2 $0x120, s22;
	s25 =	simm.s32 @!p2 $0x1A000  }
0x14d: {  	[tilespmem:s25], [sflag:$0x2] =	stream.linear.gather @!p2 [hbm4b:s23+s24], $0x80, $0x38;
	[tilespmem:$0x1B700] =	vst v63  }
0x14e: {  	s23 =	sadd.s32 @!p2 $0x140, s22;
	s25 =	simm.s32 @!p2 $0x1A100  }
0x14f: {  	[tilespmem:s25], [sflag:$0x2] =	stream.linear.gather @!p2 [hbm4b:s23+s24], $0x80, $0x38;
	[tilespmem:$0x1B700] =	vst v63  }
0x150: {  	s23 =	sadd.s32 @!p2 $0x160, s22;
	s25 =	simm.s32 @!p2 $0x1A200  }
0x151: {  	[tilespmem:s25], [sflag:$0x2] =	stream.linear.gather @!p2 [hbm4b:s23+s24], $0x80, $0x38;
	[tilespmem:$0x1B700] =	vst v63  }
0x152: {  	s23 =	sadd.s32 @!p2 $0x180, s22;
	s25 =	simm.s32 @!p2 $0x1A300  }
0x153: {  	[tilespmem:s25], [sflag:$0x2] =	stream.linear.gather @!p2 [hbm4b:s23+s24], $0x80, $0x38;
	[tilespmem:$0x1B700] =	vst v63  }
0x154: {  	s23 =	sadd.s32 @!p2 $0x1A0, s22;
	s25 =	simm.s32 @!p2 $0x1A400  }
0x155: {  	[tilespmem:s25], [sflag:$0x2] =	stream.linear.gather @!p2 [hbm4b:s23+s24], $0x80, $0x38;
	[tilespmem:$0x1B700] =	vst v63  }
0x156: {  	s23 =	sadd.s32 @!p2 $0x1C0, s22;
	s25 =	simm.s32 @!p2 $0x1A500  }
0x157: {  	[tilespmem:s25], [sflag:$0x2] =	stream.linear.gather @!p2 [hbm4b:s23+s24], $0x80, $0x38;
	[tilespmem:$0x1B700] =	vst v63  }
0x158: {  	s1 =	sadd.s32 $0x1, s1;
	s22 =	sadd.s32 @!p2 $0x1E0, s22;
	s23 =	simm.s32 @!p2 $0x1A600  }
0x159: {  	[tilespmem:s23], [sflag:$0x2] =	stream.linear.gather @!p2 [hbm4b:s22+s24], $0x80, $0x38;
	[tilespmem:$0x1B700] =	vst v63  }
0x15a: {  	p2 =	sne.s32 s1, s11  }
.Ltmp10:
0x15b: {  	_ = 	snop;
	(pc) =	sbr.rel @p2 .LBB2_10-.Ltmp10, $1  }
0x15c: {  	_ =	sdelay $0x3  }
.LBB2_15:
.Ltmp11:
0x15d: {  	(pc) =	sbr.rel @p1 .LBB2_18-.Ltmp11, $1  }
0x15e: {  	_ =	sdelay $0x3  }
0x15f: {  	_ =	swait.ge [sflag:s10], $0x800  }
0x160: {  	[sflag:s10] =	ssyncset.done $0x0  }
0x161: {  	[sflag:s10] =	ssyncadd.s32 $0xFFFFF800  }
0x162: {  	_ =	swait.ge [sflag:s10], $0x800  }
0x163: {  	[sflag:s10] =	ssyncset.done $0x0  }
0x164: {  	s22 =	simm.s32 $0x18740;
	[sflag:s10] =	ssyncadd.s32 $0xFFFFF800  }
0x165: {  	v1 =	vld [tilespmem:s22+$0x30]  }
0x166: {  	v2 =	vld [tilespmem:s22+$0xFFFFFFD0]  }
0x167: {  	s1 =	simm.s32 $0x1A740;
	v3 =	vld [tilespmem:s22+$0xFFFFFFE0]  }
0x168: {  	v4 =	vld [tilespmem:s1+$0x30]  }
0x169: {  	v5 =	vld [tilespmem:s22+$0xFFFFFFF0]  }
0x16a: {  	v6 =	vld [tilespmem:s22+$0x0]  }
0x16b: {  	v7 =	vld [tilespmem:s22+$0x10]  }
0x16c: {  	v8 =	vld [tilespmem:s22+$0x20]  }
0x16d: {  	v63 =	vld [tilespmem:s1+$0xFFFFFFC0]  }
0x16e: {  	v9 =	vld [tilespmem:s1+$0xFFFFFFD0]  }
0x16f: {  	v10 =	vld [tilespmem:s1+$0xFFFFFFE0]  }
0x170: {  	v11 =	vld [tilespmem:s1+$0xFFFFFFF0]  }
0x171: {  	v12 =	vld [tilespmem:s1+$0x0]  }
0x172: {  	v13 =	vld [tilespmem:s1+$0x10]  }
0x173: {  	[tilespmem:v1+s4+$0x0] =	vst.idx.add.f32.msk $0xffff, v4  }
0x174: {  	v1 =	vld [tilespmem:s22+$0xFFFFFFC0]  }
0x175: {  	v14 =	vld [tilespmem:s1+$0x20]  }
0x176: {  	[tilespmem:v2+s4+$0x0] =	vst.idx.add.f32.msk $0xffff, v9  }
0x177: {  	[tilespmem:v3+s4+$0x0] =	vst.idx.add.f32.msk $0xffff, v10  }
0x178: {  	[tilespmem:v5+s4+$0x0] =	vst.idx.add.f32.msk $0xffff, v11  }
0x179: {  	[tilespmem:v6+s4+$0x0] =	vst.idx.add.f32.msk $0xffff, v12  }
0x17a: {  	[tilespmem:v7+s4+$0x0] =	vst.idx.add.f32.msk $0xffff, v13  }
0x17b: {  	[tilespmem:v8+s4+$0x0] =	vst.idx.add.f32.msk $0xffff, v14  }
0x17c: {  	s23 =	simm.s32 $0x18840;
	s22 =	simm.s32 $0x0;
	[tilespmem:v1+s4+$0x0] =	vst.idx.add.f32.msk $0xffff, v63  }
.LBB2_17:
0x17d: {  	v1 =	vld [tilespmem:s23+$0x30];
	s22 =	sadd.s32 $0x80, s22  }
0x17e: {  	v2 =	vld [tilespmem:s23+$0xFFFFFFD0];
	p2 =	slt.u32 s22, $0x780  }
0x17f: {  	s1 =	sadd.s32 $0x80, s1;
	v3 =	vld [tilespmem:s23+$0xFFFFFFE0]  }
0x180: {  	v4 =	vld [tilespmem:s1+$0x30]  }
0x181: {  	v5 =	vld [tilespmem:s23+$0xFFFFFFF0]  }
0x182: {  	v6 =	vld [tilespmem:s23+$0x0]  }
0x183: {  	v7 =	vld [tilespmem:s23+$0x10]  }
0x184: {  	v8 =	vld [tilespmem:s23+$0x20]  }
0x185: {  	[tilespmem:v1+s4+$0x0] =	vst.idx.add.f32.msk $0xffff, v4  }
0x186: {  	v1 =	vld [tilespmem:s23+$0xFFFFFFC0]  }
0x187: {  	v4 =	vld [tilespmem:s1+$0xFFFFFFC0]  }
0x188: {  	v9 =	vld [tilespmem:s1+$0xFFFFFFD0]  }
0x189: {  	v10 =	vld [tilespmem:s1+$0xFFFFFFE0]  }
0x18a: {  	v11 =	vld [tilespmem:s1+$0xFFFFFFF0]  }
0x18b: {  	v12 =	vld [tilespmem:s1+$0x0]  }
0x18c: {  	v13 =	vld [tilespmem:s1+$0x10]  }
0x18d: {  	v14 =	vld [tilespmem:s1+$0x20]  }
0x18e: {  	[tilespmem:v1+s4+$0x0] =	vst.idx.add.f32.msk $0xffff, v4  }
0x18f: {  	[tilespmem:v2+s4+$0x0] =	vst.idx.add.f32.msk $0xffff, v9  }
.Ltmp12:
0x190: {  	[tilespmem:v3+s4+$0x0] =	vst.idx.add.f32.msk $0xffff, v10;
	(pc) =	sbr.rel @p2 .LBB2_17-.Ltmp12, $4  }
0x191: {  	[tilespmem:v5+s4+$0x0] =	vst.idx.add.f32.msk $0xffff, v11  }
0x192: {  	[tilespmem:v6+s4+$0x0] =	vst.idx.add.f32.msk $0xffff, v12  }
0x193: {  	[tilespmem:v7+s4+$0x0] =	vst.idx.add.f32.msk $0xffff, v13  }
0x194: {  	s23 =	sadd.s32 $0x100, s23;
	[tilespmem:v8+s4+$0x0] =	vst.idx.add.f32.msk $0xffff, v14  }
.Ltmp13:
0x195: {  	_ = 	snop;
	(pc) =	sbr.rel .LBB2_18-.Ltmp13, $1  }
0x196: {  	_ =	sdelay $0x3  }
.LBB2_19:
0x197: {  	_ =	sfence.sel $0x180000  }
0x198: {  	[bflag:$0x0] =	sbarrier.arrive $0xFFFF  }
0x199: {  	_ =	strace $0x90000047  }
0x19a: {  	s0 =	stileid.u32;
	[bflag:$0x2] =	sbarrier.arrive $0xFFFF  }
0x19b: {  	p0 =	sne.s32 s0, $0x0;
	s0 =	rddreg [dreg:$0x3]  }
0x19c: {  	s0 =	sadd.s32 @!p0 $0x100000, s0  }
0x19d: {  	[sflag:s0] =	ssyncadd.tile.s32 @!p0 $0x1;
	_ =	shalt  }
.Lfunc_end2:
_tile_overlayer_lowered:
.L_overlay_start_2:
0x19e: {  	(tag) =	ssettag $0x2  }
0x19f: {  	s0 =	rddreg [dreg:$0x0];
	s2 =	stileid.u32  }
0x1a0: {  	s1 =	rddreg [dreg:$0x1];
	p0 =	sne.s32 s2, $0x0  }
0x1a1: {  	s3 =	rddreg [dreg:$0x2];
	[bflag:$0x3] =	sbarrier.arrive $0xFFFF;
	s2 =	simm.s32 @!p0 $0x1C03  }
0x1a2: {  	[timem:s3], [sflag:s2] =	dma.local @!p0 [hbm:s0], s1  }
0x1a3: {  	s0 =	simm.s32 @!p0 $0x3  }
0x1a4: {  	_ =	swait.ge @!p0 [sflag:s0], s1  }
0x1a5: {  	s1 =	ssub.s32 @!p0 $0x0, s1;
	[sflag:s0] =	ssyncset.done @!p0 $0x0  }
0x1a6: {  	[sflag:s0] =	ssyncadd.s32 @!p0 s1  }
0x1a7: {  	[bflag:$0x3] =	sbarrier.arrive $0xFFFF  }
0x1a8: {  	_ =	shalt  }

</sc_bundles>
